<compile_context>
chip_gen: v7x
topology: tpu7x:2x2x1
jax: 0.10.2.dev20260603
libtpu: 0.0.44.dev20260713+nightly
codegen_flags: <defaults>
</compile_context>

<pallas_src>
import functools

import jax
import jax.numpy as jnp
from jax import lax
from jax.experimental import pallas as pl
from jax.experimental.pallas import tpu as pltpu
from jax.experimental.pallas import tpu_sc as plsc

B = 16384
F = 26
FIELD_SIZE = 1000000
TABLE_ROWS = F * FIELD_SIZE
NC, NS, L = 2, 16, 16
NW = NC * NS
BPW = B // NW
CHUNK = 128
VPC = CHUNK // L
CPF = BPW // CHUNK

NSPLIT = 4


def _group_body(fh, xT, table, out, xv, idx_v, rows_v, out_v, sem):
    nchunk = fh * BPW // CHUNK
    wid = lax.axis_index("s") * NC + lax.axis_index("c")
    base = wid * BPW

    pltpu.sync_copy(xT.at[:, pl.ds(base, BPW)], xv)

    def fire(g, _):
        f = g // CPF
        part = g - f * CPF
        off = jnp.full((L,), f * FIELD_SIZE, jnp.int32)
        for j in range(VPC):
            idx_v[g, pl.ds(j * L, L)] = (
                xv[f, pl.ds(part * CHUNK + j * L, L)] + off
            )
        pltpu.make_async_copy(
            table.at[idx_v.at[g]], rows_v.at[pl.ds(g * CHUNK, CHUNK)], sem
        ).start()
        return 0

    lax.fori_loop(0, nchunk, fire, 0)

    def drain(g, _):
        pltpu.make_async_copy(
            table.at[idx_v.at[0]], rows_v.at[pl.ds(0, CHUNK)], sem
        ).wait()
        return 0

    lax.fori_loop(0, nchunk, drain, 0)

    def reduce_col(c, _):
        def inner(f, acc):
            return acc + rows_v[pl.ds(f * BPW + c * L, L)]

        out_v[pl.ds(c * L, L)] = lax.fori_loop(
            0, fh, inner, jnp.zeros((L,), jnp.float32)
        )
        return 0

    lax.fori_loop(0, BPW // L, reduce_col, 0)

    pltpu.sync_copy(out_v, out.at[pl.ds(base, BPW)])


@functools.lru_cache(maxsize=None)
def _group_kernel(fh):
    return pl.kernel(
        functools.partial(_group_body, fh),
        out_type=jax.ShapeDtypeStruct((B,), jnp.float32),
        mesh=plsc.VectorSubcoreMesh(core_axis_name="c", subcore_axis_name="s"),
        scratch_types=[
            pltpu.VMEM((fh, BPW), jnp.int32),
            pltpu.VMEM((fh * BPW // CHUNK, CHUNK), jnp.int32),
            pltpu.VMEM((fh * BPW,), jnp.float32),
            pltpu.VMEM((BPW,), jnp.float32),
            pltpu.SemaphoreType.DMA,
        ],
    )


def _combine_kernel(bias_ref, out_ref, *p_refs):
    s = p_refs[0][...] + bias_ref[0]
    for p in p_refs[1:]:
        s = s + p[...]
    out_ref[...] = 1.0 / (1.0 + jnp.exp(-s))


def _combine(partials, bias):
    def body(*refs):
        bias_ref, *p_refs, out_ref = refs
        _combine_kernel(bias_ref, out_ref, *p_refs)

    return pl.pallas_call(
        body,
        out_shape=jax.ShapeDtypeStruct((B,), jnp.float32),
    )(bias, *partials)


def kernel(x, table, bias):
    xT = x.T
    q, r = divmod(F, NSPLIT)
    counts = [q + 1] * r + [q] * (NSPLIT - r)
    partials, f0 = [], 0
    for fh in counts:
        tg = jnp.squeeze(table[f0 * FIELD_SIZE:(f0 + fh) * FIELD_SIZE], 1)
        tg = lax.optimization_barrier(tg)
        partials.append(_group_kernel(fh)(xT[f0:f0 + fh], tg))
        f0 += fh
    return _combine(partials, bias.astype(jnp.float32))

# --- scband reference (transcript-rebuilt; emitter-appended) ---
"""Pipeline reference for scband-lr-46746424049734 (READ-ONLY COPY).

The authoritative reference and input builder live on the scoring server;
editing this copy changes nothing except your own understanding.
"""

import jax, jax.numpy as jnp
import numpy as np

FIELD_DIMS = [1000000] * 26
TOTAL_ROWS = int(np.sum(FIELD_DIMS))
BATCH = 16384
NUM_FIELDS = len(FIELD_DIMS)


def _offsets():
    return jnp.asarray(np.concatenate(([0], np.cumsum(FIELD_DIMS)[:-1])).astype(np.int32))


def setup_inputs(seed: int = 0) -> dict:
    key = jax.random.key(seed)
    k1, k2 = jax.random.split(key, 2)
    x = jax.random.randint(k1, (BATCH, NUM_FIELDS), 0, 1000000, dtype=jnp.int32)
    table = jax.random.normal(k2, (TOTAL_ROWS, 1), dtype=jnp.float32) * 0.01
    bias = jnp.zeros((1,), dtype=jnp.float32)
    return {"x": x, "table": table, "bias": bias}


def reference(x, table, bias):
    # FeaturesLinear: per-field offsets map local ids to global table rows
    offsets = _offsets()
    idx = x + offsets[None, :]                 # [B, F]
    emb = jnp.take(table, idx, axis=0)         # [B, F, 1] gather (SparseCore-friendly)
    lin = jnp.sum(emb, axis=1) + bias          # [B, 1]
    # LR: sigmoid(linear(x).squeeze(1))
    return jax.nn.sigmoid(jnp.squeeze(lin, axis=1))  # [B]

if __name__ == "__main__":
    import jax
    _d = setup_inputs()
    print(jax.jit(kernel)(*tuple(_d.values())))

</pallas_src>

<mosaic_0001>
#map = affine_map<(d0, d1) -> (0, 0)>
#map1 = affine_map<(d0, d1) -> (0)>
module attributes {stable_mosaic.version = 14 : i64} {
  func.func @_group_body(%arg0: i32, %arg1: i32, %arg2: memref<7x16384xi32, #tpu.memory_space<hbm>>, %arg3: memref<7000000xf32, #tpu.memory_space<hbm>>, %arg4: memref<16384xf32, #tpu.memory_space<hbm>>, %arg5: memref<7x512xi32, #tpu.memory_space<vmem>>, %arg6: memref<28x128xi32, #tpu.memory_space<vmem>>, %arg7: memref<3584xf32, #tpu.memory_space<vmem>>, %arg8: memref<512xf32, #tpu.memory_space<vmem>>, %arg9: memref<!tpu.dma_semaphore, #tpu.memory_space<semaphore_mem>>) attributes {dimension_semantics = [#tpu.dimension_semantics<core_parallel>, #tpu.dimension_semantics<subcore_parallel>], iteration_bounds = array<i64: 2, 16>, scalar_prefetch = 0 : i64, scratch_operands = 5 : i64, tpu.core_type = #tpu.core_type<sc_vector_subcore>, window_params = [{transform_indices = #map}, {transform_indices = #map1}, {transform_indices = #map1}]} {
    %mul3A = arith.constant 2 : i32
    %mul3A_0 = arith.muli %arg1, %mul3A : i32
    %add3A = arith.addi %mul3A_0, %arg0 : i32
    %mul3A_1 = arith.constant 512 : i32
    %mul3A_2 = arith.muli %add3A, %mul3A_1 : i32
    "tpu.region"() ({
      %run_scoped3A = tpu.sem_alloc : memref<!tpu.dma_semaphore, #tpu.memory_space<semaphore_mem>>
      %dma_start3A = arith.constant 0 : i32
      %dma_start3A_23 = tpu.memref_slice %arg2[%dma_start3A, %mul3A_2] : memref<7x16384xi32, #tpu.memory_space<hbm>> -> memref<7x512xi32, #tpu.memory_space<hbm>>
      %dma_start3A_24 = arith.constant 0 : i32
      %dma_start3A_25 = tpu.memref_slice %arg2[%dma_start3A_24, %mul3A_2] : memref<7x16384xi32, #tpu.memory_space<hbm>> -> memref<7x512xi32, #tpu.memory_space<hbm>>
      tpu.enqueue_dma source(%dma_start3A_25 : memref<7x512xi32, #tpu.memory_space<hbm>>) target(%arg5 : memref<7x512xi32, #tpu.memory_space<vmem>>) target_semaphore(%run_scoped3A : memref<!tpu.dma_semaphore, #tpu.memory_space<semaphore_mem>>)
      %dma_wait3A = arith.constant 0 : i32
      %dma_wait3A_26 = tpu.memref_slice %arg2[%dma_wait3A, %mul3A_2] : memref<7x16384xi32, #tpu.memory_space<hbm>> -> memref<7x512xi32, #tpu.memory_space<hbm>>
      %dma_wait3A_27 = arith.constant 0 : i32
      %dma_wait3A_28 = tpu.memref_slice %arg2[%dma_wait3A_27, %mul3A_2] : memref<7x16384xi32, #tpu.memory_space<hbm>> -> memref<7x512xi32, #tpu.memory_space<hbm>>
      tpu.wait_dma2 semaphore(%run_scoped3A : memref<!tpu.dma_semaphore, #tpu.memory_space<semaphore_mem>>) src(%dma_wait3A_28 : memref<7x512xi32, #tpu.memory_space<hbm>>) dst(%arg5 : memref<7x512xi32, #tpu.memory_space<vmem>>)
      tpu.yield
    }) : () -> ()
    %scan3A = arith.constant 0 : i32
    %scan3A_3 = arith.constant 0 : i32
    %scan3A_4 = arith.constant 28 : i32
    %scan3A_5 = arith.addi %scan3A_3, %scan3A_4 : i32
    %scan3A_6 = arith.constant 1 : i32
    %scan3A_7 = scf.for %scan3A_23 = %scan3A_3 to %scan3A_5 step %scan3A_6 iter_args(%scan3A_24 = %scan3A) -> (i32)  : i32 {
      %jit3A = arith.constant 4 : i32
      %div3A = arith.divsi %scan3A_23, %jit3A : i32
      %sign3A = arith.constant 0 : i32
      %sign3A_25 = arith.cmpi sgt, %scan3A_23, %sign3A : i32
      %sign3A_26 = arith.extui %sign3A_25 : i1 to i32
      %sign3A_27 = arith.constant 0 : i32
      %sign3A_28 = arith.cmpi slt, %scan3A_23, %sign3A_27 : i32
      %sign3A_29 = arith.extui %sign3A_28 : i1 to i32
      %sign3A_30 = arith.subi %sign3A_26, %sign3A_29 : i32
      %sign3A_31 = arith.constant 0 : i32
      %sign3A_32 = arith.cmpi sgt, %jit3A, %sign3A_31 : i32
      %sign3A_33 = arith.extui %sign3A_32 : i1 to i32
      %sign3A_34 = arith.constant 0 : i32
      %sign3A_35 = arith.cmpi slt, %jit3A, %sign3A_34 : i32
      %sign3A_36 = arith.extui %sign3A_35 : i1 to i32
      %sign3A_37 = arith.subi %sign3A_33, %sign3A_36 : i32
      %ne3A = arith.cmpi ne, %sign3A_30, %sign3A_37 : i32
      %rem3A = arith.remsi %scan3A_23, %jit3A : i32
      %ne3A_38 = arith.constant 0 : i32
      %ne3A_39 = arith.cmpi ne, %rem3A, %ne3A_38 : i32
      %and3A = arith.andi %ne3A, %ne3A_39 : i1
      %sub3A = arith.constant 1 : i32
      %sub3A_40 = arith.subi %div3A, %sub3A : i32
      %select_n3A = arith.select %and3A, %sub3A_40, %div3A : i32
      %mul3A_41 = arith.constant 4 : i32
      %mul3A_42 = arith.muli %select_n3A, %mul3A_41 : i32
      %sub3A_43 = arith.subi %scan3A_23, %mul3A_42 : i32
      %mul3A_44 = arith.constant 1000000 : i32
      %mul3A_45 = arith.muli %select_n3A, %mul3A_44 : i32
      %broadcast_in_dim3A = vector.broadcast %mul3A_45 : i32 to vector<16xi32>
      %mul3A_46 = arith.constant 128 : i32
      %mul3A_47 = arith.muli %sub3A_43, %mul3A_46 : i32
      %add3A_48 = arith.constant 0 : i32
      %add3A_49 = arith.addi %mul3A_47, %add3A_48 : i32
      %get3A = arith.index_cast %select_n3A : i32 to index
      %get3A_50 = arith.index_cast %add3A_49 : i32 to index
      %get3A_51 = tpu.vector_load %arg5[%get3A, %get3A_50] {strides = array<i32>} : memref<7x512xi32, #tpu.memory_space<vmem>>, vector<1x16xi32>,
      %get3A_52 = vector.shape_cast %get3A_51 : vector<1x16xi32> to vector<16xi32>
      %add3A_53 = arith.addi %get3A_52, %broadcast_in_dim3A : vector<16xi32>
      %swap3A = arith.index_cast %scan3A_23 : i32 to index
      %swap3A_54 = arith.constant 0 : index
      %swap3A_55 = tpu.vector_load %arg6[%swap3A, %swap3A_54] {strides = array<i32>} : memref<28x128xi32, #tpu.memory_space<vmem>>, vector<1x16xi32>,
      %swap3A_56 = vector.shape_cast %swap3A_55 : vector<1x16xi32> to vector<16xi32>
      %swap3A_57 = vector.shape_cast %add3A_53 : vector<16xi32> to vector<1x16xi32>
      tpu.vector_store %arg6[%swap3A, %swap3A_54], %swap3A_57 {strides = array<i32>} : memref<28x128xi32, #tpu.memory_space<vmem>>, vector<1x16xi32>,
      %mul3A_58 = arith.constant 128 : i32
      %mul3A_59 = arith.muli %sub3A_43, %mul3A_58 : i32
      %add3A_60 = arith.constant 16 : i32
      %add3A_61 = arith.addi %mul3A_59, %add3A_60 : i32
      %get3A_62 = arith.index_cast %select_n3A : i32 to index
      %get3A_63 = arith.index_cast %add3A_61 : i32 to index
      %get3A_64 = tpu.vector_load %arg5[%get3A_62, %get3A_63] {strides = array<i32>} : memref<7x512xi32, #tpu.memory_space<vmem>>, vector<1x16xi32>,
      %get3A_65 = vector.shape_cast %get3A_64 : vector<1x16xi32> to vector<16xi32>
      %add3A_66 = arith.addi %get3A_65, %broadcast_in_dim3A : vector<16xi32>
      %swap3A_67 = arith.index_cast %scan3A_23 : i32 to index
      %swap3A_68 = arith.constant 16 : index
      %swap3A_69 = tpu.vector_load %arg6[%swap3A_67, %swap3A_68] {strides = array<i32>} : memref<28x128xi32, #tpu.memory_space<vmem>>, vector<1x16xi32>,
      %swap3A_70 = vector.shape_cast %swap3A_69 : vector<1x16xi32> to vector<16xi32>
      %swap3A_71 = vector.shape_cast %add3A_66 : vector<16xi32> to vector<1x16xi32>
      tpu.vector_store %arg6[%swap3A_67, %swap3A_68], %swap3A_71 {strides = array<i32>} : memref<28x128xi32, #tpu.memory_space<vmem>>, vector<1x16xi32>,
      %mul3A_72 = arith.constant 128 : i32
      %mul3A_73 = arith.muli %sub3A_43, %mul3A_72 : i32
      %add3A_74 = arith.constant 32 : i32
      %add3A_75 = arith.addi %mul3A_73, %add3A_74 : i32
      %get3A_76 = arith.index_cast %select_n3A : i32 to index
      %get3A_77 = arith.index_cast %add3A_75 : i32 to index
      %get3A_78 = tpu.vector_load %arg5[%get3A_76, %get3A_77] {strides = array<i32>} : memref<7x512xi32, #tpu.memory_space<vmem>>, vector<1x16xi32>,
      %get3A_79 = vector.shape_cast %get3A_78 : vector<1x16xi32> to vector<16xi32>
      %add3A_80 = arith.addi %get3A_79, %broadcast_in_dim3A : vector<16xi32>
      %swap3A_81 = arith.index_cast %scan3A_23 : i32 to index
      %swap3A_82 = arith.constant 32 : index
      %swap3A_83 = tpu.vector_load %arg6[%swap3A_81, %swap3A_82] {strides = array<i32>} : memref<28x128xi32, #tpu.memory_space<vmem>>, vector<1x16xi32>,
      %swap3A_84 = vector.shape_cast %swap3A_83 : vector<1x16xi32> to vector<16xi32>
      %swap3A_85 = vector.shape_cast %add3A_80 : vector<16xi32> to vector<1x16xi32>
      tpu.vector_store %arg6[%swap3A_81, %swap3A_82], %swap3A_85 {strides = array<i32>} : memref<28x128xi32, #tpu.memory_space<vmem>>, vector<1x16xi32>,
      %mul3A_86 = arith.constant 128 : i32
      %mul3A_87 = arith.muli %sub3A_43, %mul3A_86 : i32
      %add3A_88 = arith.constant 48 : i32
      %add3A_89 = arith.addi %mul3A_87, %add3A_88 : i32
      %get3A_90 = arith.index_cast %select_n3A : i32 to index
      %get3A_91 = arith.index_cast %add3A_89 : i32 to index
      %get3A_92 = tpu.vector_load %arg5[%get3A_90, %get3A_91] {strides = array<i32>} : memref<7x512xi32, #tpu.memory_space<vmem>>, vector<1x16xi32>,
      %get3A_93 = vector.shape_cast %get3A_92 : vector<1x16xi32> to vector<16xi32>
      %add3A_94 = arith.addi %get3A_93, %broadcast_in_dim3A : vector<16xi32>
      %swap3A_95 = arith.index_cast %scan3A_23 : i32 to index
      %swap3A_96 = arith.constant 48 : index
      %swap3A_97 = tpu.vector_load %arg6[%swap3A_95, %swap3A_96] {strides = array<i32>} : memref<28x128xi32, #tpu.memory_space<vmem>>, vector<1x16xi32>,
      %swap3A_98 = vector.shape_cast %swap3A_97 : vector<1x16xi32> to vector<16xi32>
      %swap3A_99 = vector.shape_cast %add3A_94 : vector<16xi32> to vector<1x16xi32>
      tpu.vector_store %arg6[%swap3A_95, %swap3A_96], %swap3A_99 {strides = array<i32>} : memref<28x128xi32, #tpu.memory_space<vmem>>, vector<1x16xi32>,
      %mul3A_100 = arith.constant 128 : i32
      %mul3A_101 = arith.muli %sub3A_43, %mul3A_100 : i32
      %add3A_102 = arith.constant 64 : i32
      %add3A_103 = arith.addi %mul3A_101, %add3A_102 : i32
      %get3A_104 = arith.index_cast %select_n3A : i32 to index
      %get3A_105 = arith.index_cast %add3A_103 : i32 to index
      %get3A_106 = tpu.vector_load %arg5[%get3A_104, %get3A_105] {strides = array<i32>} : memref<7x512xi32, #tpu.memory_space<vmem>>, vector<1x16xi32>,
      %get3A_107 = vector.shape_cast %get3A_106 : vector<1x16xi32> to vector<16xi32>
      %add3A_108 = arith.addi %get3A_107, %broadcast_in_dim3A : vector<16xi32>
      %swap3A_109 = arith.index_cast %scan3A_23 : i32 to index
      %swap3A_110 = arith.constant 64 : index
      %swap3A_111 = tpu.vector_load %arg6[%swap3A_109, %swap3A_110] {strides = array<i32>} : memref<28x128xi32, #tpu.memory_space<vmem>>, vector<1x16xi32>,
      %swap3A_112 = vector.shape_cast %swap3A_111 : vector<1x16xi32> to vector<16xi32>
      %swap3A_113 = vector.shape_cast %add3A_108 : vector<16xi32> to vector<1x16xi32>
      tpu.vector_store %arg6[%swap3A_109, %swap3A_110], %swap3A_113 {strides = array<i32>} : memref<28x128xi32, #tpu.memory_space<vmem>>, vector<1x16xi32>,
      %mul3A_114 = arith.constant 128 : i32
      %mul3A_115 = arith.muli %sub3A_43, %mul3A_114 : i32
      %add3A_116 = arith.constant 80 : i32
      %add3A_117 = arith.addi %mul3A_115, %add3A_116 : i32
      %get3A_118 = arith.index_cast %select_n3A : i32 to index
      %get3A_119 = arith.index_cast %add3A_117 : i32 to index
      %get3A_120 = tpu.vector_load %arg5[%get3A_118, %get3A_119] {strides = array<i32>} : memref<7x512xi32, #tpu.memory_space<vmem>>, vector<1x16xi32>,
      %get3A_121 = vector.shape_cast %get3A_120 : vector<1x16xi32> to vector<16xi32>
      %add3A_122 = arith.addi %get3A_121, %broadcast_in_dim3A : vector<16xi32>
      %swap3A_123 = arith.index_cast %scan3A_23 : i32 to index
      %swap3A_124 = arith.constant 80 : index
      %swap3A_125 = tpu.vector_load %arg6[%swap3A_123, %swap3A_124] {strides = array<i32>} : memref<28x128xi32, #tpu.memory_space<vmem>>, vector<1x16xi32>,
      %swap3A_126 = vector.shape_cast %swap3A_125 : vector<1x16xi32> to vector<16xi32>
      %swap3A_127 = vector.shape_cast %add3A_122 : vector<16xi32> to vector<1x16xi32>
      tpu.vector_store %arg6[%swap3A_123, %swap3A_124], %swap3A_127 {strides = array<i32>} : memref<28x128xi32, #tpu.memory_space<vmem>>, vector<1x16xi32>,
      %mul3A_128 = arith.constant 128 : i32
      %mul3A_129 = arith.muli %sub3A_43, %mul3A_128 : i32
      %add3A_130 = arith.constant 96 : i32
      %add3A_131 = arith.addi %mul3A_129, %add3A_130 : i32
      %get3A_132 = arith.index_cast %select_n3A : i32 to index
      %get3A_133 = arith.index_cast %add3A_131 : i32 to index
      %get3A_134 = tpu.vector_load %arg5[%get3A_132, %get3A_133] {strides = array<i32>} : memref<7x512xi32, #tpu.memory_space<vmem>>, vector<1x16xi32>,
      %get3A_135 = vector.shape_cast %get3A_134 : vector<1x16xi32> to vector<16xi32>
      %add3A_136 = arith.addi %get3A_135, %broadcast_in_dim3A : vector<16xi32>
      %swap3A_137 = arith.index_cast %scan3A_23 : i32 to index
      %swap3A_138 = arith.constant 96 : index
      %swap3A_139 = tpu.vector_load %arg6[%swap3A_137, %swap3A_138] {strides = array<i32>} : memref<28x128xi32, #tpu.memory_space<vmem>>, vector<1x16xi32>,
      %swap3A_140 = vector.shape_cast %swap3A_139 : vector<1x16xi32> to vector<16xi32>
      %swap3A_141 = vector.shape_cast %add3A_136 : vector<16xi32> to vector<1x16xi32>
      tpu.vector_store %arg6[%swap3A_137, %swap3A_138], %swap3A_141 {strides = array<i32>} : memref<28x128xi32, #tpu.memory_space<vmem>>, vector<1x16xi32>,
      %mul3A_142 = arith.constant 128 : i32
      %mul3A_143 = arith.muli %sub3A_43, %mul3A_142 : i32
      %add3A_144 = arith.constant 112 : i32
      %add3A_145 = arith.addi %mul3A_143, %add3A_144 : i32
      %get3A_146 = arith.index_cast %select_n3A : i32 to index
      %get3A_147 = arith.index_cast %add3A_145 : i32 to index
      %get3A_148 = tpu.vector_load %arg5[%get3A_146, %get3A_147] {strides = array<i32>} : memref<7x512xi32, #tpu.memory_space<vmem>>, vector<1x16xi32>,
      %get3A_149 = vector.shape_cast %get3A_148 : vector<1x16xi32> to vector<16xi32>
      %add3A_150 = arith.addi %get3A_149, %broadcast_in_dim3A : vector<16xi32>
      %swap3A_151 = arith.index_cast %scan3A_23 : i32 to index
      %swap3A_152 = arith.constant 112 : index
      %swap3A_153 = tpu.vector_load %arg6[%swap3A_151, %swap3A_152] {strides = array<i32>} : memref<28x128xi32, #tpu.memory_space<vmem>>, vector<1x16xi32>,
      %swap3A_154 = vector.shape_cast %swap3A_153 : vector<1x16xi32> to vector<16xi32>
      %swap3A_155 = vector.shape_cast %add3A_150 : vector<16xi32> to vector<1x16xi32>
      tpu.vector_store %arg6[%swap3A_151, %swap3A_152], %swap3A_155 {strides = array<i32>} : memref<28x128xi32, #tpu.memory_space<vmem>>, vector<1x16xi32>,
      %mul3A_156 = arith.constant 128 : i32
      %mul3A_157 = arith.muli %scan3A_23, %mul3A_156 : i32
      %dma_start3A = tpu.memref_slice %arg7[%mul3A_157] : memref<3584xf32, #tpu.memory_space<vmem>> -> memref<128xf32, #tpu.memory_space<vmem>>
      %dma_start3A_158 = arith.constant 0 : i32
      %dma_start3A_159 = tpu.memref_slice %arg6[%scan3A_23, %dma_start3A_158] : memref<28x128xi32, #tpu.memory_space<vmem>> -> memref<1x128xi32, #tpu.memory_space<vmem>>
      %dma_start3A_160 = tpu.memref_squeeze %dma_start3A_159 : memref<1x128xi32, #tpu.memory_space<vmem>> -> memref<128xi32, #tpu.memory_space<vmem>>
      %dma_start3A_161 = arith.constant 0 : i32
      %dma_start3A_162 = tpu.memref_slice %arg3[%dma_start3A_161] : memref<7000000xf32, #tpu.memory_space<hbm>> -> memref<7000000xf32, #tpu.memory_space<hbm>>
      tpu.enqueue_indirect_dma source(%dma_start3A_162 : memref<7000000xf32, #tpu.memory_space<hbm>>) target(%dma_start3A : memref<128xf32, #tpu.memory_space<vmem>>) offsets(%dma_start3A_160 : memref<128xi32, #tpu.memory_space<vmem>>) semaphore(%arg9 : memref<!tpu.dma_semaphore, #tpu.memory_space<semaphore_mem>>)
      %scan3A_163 = arith.constant 0 : i32
      scf.yield %scan3A_163 : i32
    }
    %scan3A_8 = arith.constant 28 : i32
    %scan3A_9 = arith.constant 0 : i32
    %scan3A_10 = arith.constant 0 : i32
    %scan3A_11 = arith.constant 28 : i32
    %scan3A_12 = arith.addi %scan3A_10, %scan3A_11 : i32
    %scan3A_13 = arith.constant 1 : i32
    %scan3A_14 = scf.for %scan3A_23 = %scan3A_10 to %scan3A_12 step %scan3A_13 iter_args(%scan3A_24 = %scan3A_9) -> (i32)  : i32 {
      %dma_wait3A = arith.constant 0 : i32
      %dma_wait3A_25 = arith.constant 0 : i32
      %dma_wait3A_26 = tpu.memref_slice %arg7[%dma_wait3A_25] : memref<3584xf32, #tpu.memory_space<vmem>> -> memref<128xf32, #tpu.memory_space<vmem>>
      %dma_wait3A_27 = arith.constant 0 : i32
      %dma_wait3A_28 = tpu.memref_slice %arg6[%dma_wait3A, %dma_wait3A_27] : memref<28x128xi32, #tpu.memory_space<vmem>> -> memref<1x128xi32, #tpu.memory_space<vmem>>
      %dma_wait3A_29 = tpu.memref_squeeze %dma_wait3A_28 : memref<1x128xi32, #tpu.memory_space<vmem>> -> memref<128xi32, #tpu.memory_space<vmem>>
      %dma_wait3A_30 = arith.constant 0 : i32
      %dma_wait3A_31 = tpu.memref_slice %arg3[%dma_wait3A_30] : memref<7000000xf32, #tpu.memory_space<hbm>> -> memref<7000000xf32, #tpu.memory_space<hbm>>
      tpu.wait_indirect_dma semaphore(%arg9 : memref<!tpu.dma_semaphore, #tpu.memory_space<semaphore_mem>>) src(%dma_wait3A_31 : memref<7000000xf32, #tpu.memory_space<hbm>>) dst(%dma_wait3A_26 : memref<128xf32, #tpu.memory_space<vmem>>)
      %scan3A_32 = arith.constant 0 : i32
      scf.yield %scan3A_32 : i32
    }
    %scan3A_15 = arith.constant 28 : i32
    %scan3A_16 = arith.constant 0 : i32
    %scan3A_17 = arith.constant 0 : i32
    %scan3A_18 = arith.constant 32 : i32
    %scan3A_19 = arith.addi %scan3A_17, %scan3A_18 : i32
    %scan3A_20 = arith.constant 1 : i32
    %scan3A_21 = scf.for %scan3A_23 = %scan3A_17 to %scan3A_19 step %scan3A_20 iter_args(%scan3A_24 = %scan3A_16) -> (i32)  : i32 {
      %broadcast_in_dim3A = arith.constant 0.000000e+00 : f32
      %broadcast_in_dim3A_25 = vector.broadcast %broadcast_in_dim3A : f32 to vector<16xf32>
      %scan3A_26 = arith.constant 0 : i32
      %scan3A_27 = arith.constant 7 : i32
      %scan3A_28 = arith.addi %scan3A_26, %scan3A_27 : i32
      %scan3A_29 = arith.constant 1 : i32
      %scan3A_30 = scf.for %scan3A_38 = %scan3A_26 to %scan3A_28 step %scan3A_29 iter_args(%scan3A_39 = %broadcast_in_dim3A_25) -> (vector<16xf32>)  : i32 {
        %mul3A_40 = arith.constant 512 : i32
        %mul3A_41 = arith.muli %scan3A_38, %mul3A_40 : i32
        %mul3A_42 = arith.constant 16 : i32
        %mul3A_43 = arith.muli %scan3A_23, %mul3A_42 : i32
        %add3A_44 = arith.addi %mul3A_41, %mul3A_43 : i32
        %get3A = arith.index_cast %add3A_44 : i32 to index
        %get3A_45 = tpu.vector_load %arg7[%get3A] {strides = array<i32>} : memref<3584xf32, #tpu.memory_space<vmem>>, vector<16xf32>,
        %get3A_46 = vector.shape_cast %get3A_45 : vector<16xf32> to vector<16xf32>
        %add3A_47 = arith.addf %scan3A_39, %get3A_46 : vector<16xf32>
        scf.yield %add3A_47 : vector<16xf32>
      }
      %scan3A_31 = arith.constant 7 : i32
      %mul3A_32 = arith.constant 16 : i32
      %mul3A_33 = arith.muli %scan3A_23, %mul3A_32 : i32
      %swap3A = arith.index_cast %mul3A_33 : i32 to index
      %swap3A_34 = tpu.vector_load %arg8[%swap3A] {strides = array<i32>} : memref<512xf32, #tpu.memory_space<vmem>>, vector<16xf32>,
      %swap3A_35 = vector.shape_cast %swap3A_34 : vector<16xf32> to vector<16xf32>
      %swap3A_36 = vector.shape_cast %scan3A_30 : vector<16xf32> to vector<16xf32>
      tpu.vector_store %arg8[%swap3A], %swap3A_36 {strides = array<i32>} : memref<512xf32, #tpu.memory_space<vmem>>, vector<16xf32>,
      %scan3A_37 = arith.constant 0 : i32
      scf.yield %scan3A_37 : i32
    }
    %scan3A_22 = arith.constant 32 : i32
    "tpu.region"() ({
      %run_scoped3A = tpu.sem_alloc : memref<!tpu.dma_semaphore, #tpu.memory_space<semaphore_mem>>
      %dma_start3A = tpu.memref_slice %arg4[%mul3A_2] : memref<16384xf32, #tpu.memory_space<hbm>> -> memref<512xf32, #tpu.memory_space<hbm>>
      %dma_start3A_23 = tpu.memref_slice %arg4[%mul3A_2] : memref<16384xf32, #tpu.memory_space<hbm>> -> memref<512xf32, #tpu.memory_space<hbm>>
      tpu.enqueue_dma source(%arg8 : memref<512xf32, #tpu.memory_space<vmem>>) target(%dma_start3A_23 : memref<512xf32, #tpu.memory_space<hbm>>) target_semaphore(%run_scoped3A : memref<!tpu.dma_semaphore, #tpu.memory_space<semaphore_mem>>)
      %dma_wait3A = tpu.memref_slice %arg4[%mul3A_2] : memref<16384xf32, #tpu.memory_space<hbm>> -> memref<512xf32, #tpu.memory_space<hbm>>
      %dma_wait3A_24 = tpu.memref_slice %arg4[%mul3A_2] : memref<16384xf32, #tpu.memory_space<hbm>> -> memref<512xf32, #tpu.memory_space<hbm>>
      tpu.wait_dma2 semaphore(%run_scoped3A : memref<!tpu.dma_semaphore, #tpu.memory_space<semaphore_mem>>) src(%arg8 : memref<512xf32, #tpu.memory_space<vmem>>) dst(%dma_wait3A_24 : memref<512xf32, #tpu.memory_space<hbm>>)
      tpu.yield
    }) : () -> ()
    return
  }
}

#map = affine_map<(d0, d1) -> (0, 0)>
#map1 = affine_map<(d0, d1) -> (0)>
module attributes {stable_mosaic.version = 14 : i64} {
  func.func @_group_body(%arg0: i32, %arg1: i32, %arg2: memref<6x16384xi32, #tpu.memory_space<hbm>>, %arg3: memref<6000000xf32, #tpu.memory_space<hbm>>, %arg4: memref<16384xf32, #tpu.memory_space<hbm>>, %arg5: memref<6x512xi32, #tpu.memory_space<vmem>>, %arg6: memref<24x128xi32, #tpu.memory_space<vmem>>, %arg7: memref<3072xf32, #tpu.memory_space<vmem>>, %arg8: memref<512xf32, #tpu.memory_space<vmem>>, %arg9: memref<!tpu.dma_semaphore, #tpu.memory_space<semaphore_mem>>) attributes {dimension_semantics = [#tpu.dimension_semantics<core_parallel>, #tpu.dimension_semantics<subcore_parallel>], iteration_bounds = array<i64: 2, 16>, scalar_prefetch = 0 : i64, scratch_operands = 5 : i64, tpu.core_type = #tpu.core_type<sc_vector_subcore>, window_params = [{transform_indices = #map}, {transform_indices = #map1}, {transform_indices = #map1}]} {
    %mul3A = arith.constant 2 : i32
    %mul3A_0 = arith.muli %arg1, %mul3A : i32
    %add3A = arith.addi %mul3A_0, %arg0 : i32
    %mul3A_1 = arith.constant 512 : i32
    %mul3A_2 = arith.muli %add3A, %mul3A_1 : i32
    "tpu.region"() ({
      %run_scoped3A = tpu.sem_alloc : memref<!tpu.dma_semaphore, #tpu.memory_space<semaphore_mem>>
      %dma_start3A = arith.constant 0 : i32
      %dma_start3A_23 = tpu.memref_slice %arg2[%dma_start3A, %mul3A_2] : memref<6x16384xi32, #tpu.memory_space<hbm>> -> memref<6x512xi32, #tpu.memory_space<hbm>>
      %dma_start3A_24 = arith.constant 0 : i32
      %dma_start3A_25 = tpu.memref_slice %arg2[%dma_start3A_24, %mul3A_2] : memref<6x16384xi32, #tpu.memory_space<hbm>> -> memref<6x512xi32, #tpu.memory_space<hbm>>
      tpu.enqueue_dma source(%dma_start3A_25 : memref<6x512xi32, #tpu.memory_space<hbm>>) target(%arg5 : memref<6x512xi32, #tpu.memory_space<vmem>>) target_semaphore(%run_scoped3A : memref<!tpu.dma_semaphore, #tpu.memory_space<semaphore_mem>>)
      %dma_wait3A = arith.constant 0 : i32
      %dma_wait3A_26 = tpu.memref_slice %arg2[%dma_wait3A, %mul3A_2] : memref<6x16384xi32, #tpu.memory_space<hbm>> -> memref<6x512xi32, #tpu.memory_space<hbm>>
      %dma_wait3A_27 = arith.constant 0 : i32
      %dma_wait3A_28 = tpu.memref_slice %arg2[%dma_wait3A_27, %mul3A_2] : memref<6x16384xi32, #tpu.memory_space<hbm>> -> memref<6x512xi32, #tpu.memory_space<hbm>>
      tpu.wait_dma2 semaphore(%run_scoped3A : memref<!tpu.dma_semaphore, #tpu.memory_space<semaphore_mem>>) src(%dma_wait3A_28 : memref<6x512xi32, #tpu.memory_space<hbm>>) dst(%arg5 : memref<6x512xi32, #tpu.memory_space<vmem>>)
      tpu.yield
    }) : () -> ()
    %scan3A = arith.constant 0 : i32
    %scan3A_3 = arith.constant 0 : i32
    %scan3A_4 = arith.constant 24 : i32
    %scan3A_5 = arith.addi %scan3A_3, %scan3A_4 : i32
    %scan3A_6 = arith.constant 1 : i32
    %scan3A_7 = scf.for %scan3A_23 = %scan3A_3 to %scan3A_5 step %scan3A_6 iter_args(%scan3A_24 = %scan3A) -> (i32)  : i32 {
      %jit3A = arith.constant 4 : i32
      %div3A = arith.divsi %scan3A_23, %jit3A : i32
      %sign3A = arith.constant 0 : i32
      %sign3A_25 = arith.cmpi sgt, %scan3A_23, %sign3A : i32
      %sign3A_26 = arith.extui %sign3A_25 : i1 to i32
      %sign3A_27 = arith.constant 0 : i32
      %sign3A_28 = arith.cmpi slt, %scan3A_23, %sign3A_27 : i32
      %sign3A_29 = arith.extui %sign3A_28 : i1 to i32
      %sign3A_30 = arith.subi %sign3A_26, %sign3A_29 : i32
      %sign3A_31 = arith.constant 0 : i32
      %sign3A_32 = arith.cmpi sgt, %jit3A, %sign3A_31 : i32
      %sign3A_33 = arith.extui %sign3A_32 : i1 to i32
      %sign3A_34 = arith.constant 0 : i32
      %sign3A_35 = arith.cmpi slt, %jit3A, %sign3A_34 : i32
      %sign3A_36 = arith.extui %sign3A_35 : i1 to i32
      %sign3A_37 = arith.subi %sign3A_33, %sign3A_36 : i32
      %ne3A = arith.cmpi ne, %sign3A_30, %sign3A_37 : i32
      %rem3A = arith.remsi %scan3A_23, %jit3A : i32
      %ne3A_38 = arith.constant 0 : i32
      %ne3A_39 = arith.cmpi ne, %rem3A, %ne3A_38 : i32
      %and3A = arith.andi %ne3A, %ne3A_39 : i1
      %sub3A = arith.constant 1 : i32
      %sub3A_40 = arith.subi %div3A, %sub3A : i32
      %select_n3A = arith.select %and3A, %sub3A_40, %div3A : i32
      %mul3A_41 = arith.constant 4 : i32
      %mul3A_42 = arith.muli %select_n3A, %mul3A_41 : i32
      %sub3A_43 = arith.subi %scan3A_23, %mul3A_42 : i32
      %mul3A_44 = arith.constant 1000000 : i32
      %mul3A_45 = arith.muli %select_n3A, %mul3A_44 : i32
      %broadcast_in_dim3A = vector.broadcast %mul3A_45 : i32 to vector<16xi32>
      %mul3A_46 = arith.constant 128 : i32
      %mul3A_47 = arith.muli %sub3A_43, %mul3A_46 : i32
      %add3A_48 = arith.constant 0 : i32
      %add3A_49 = arith.addi %mul3A_47, %add3A_48 : i32
      %get3A = arith.index_cast %select_n3A : i32 to index
      %get3A_50 = arith.index_cast %add3A_49 : i32 to index
      %get3A_51 = tpu.vector_load %arg5[%get3A, %get3A_50] {strides = array<i32>} : memref<6x512xi32, #tpu.memory_space<vmem>>, vector<1x16xi32>,
      %get3A_52 = vector.shape_cast %get3A_51 : vector<1x16xi32> to vector<16xi32>
      %add3A_53 = arith.addi %get3A_52, %broadcast_in_dim3A : vector<16xi32>
      %swap3A = arith.index_cast %scan3A_23 : i32 to index
      %swap3A_54 = arith.constant 0 : index
      %swap3A_55 = tpu.vector_load %arg6[%swap3A, %swap3A_54] {strides = array<i32>} : memref<24x128xi32, #tpu.memory_space<vmem>>, vector<1x16xi32>,
      %swap3A_56 = vector.shape_cast %swap3A_55 : vector<1x16xi32> to vector<16xi32>
      %swap3A_57 = vector.shape_cast %add3A_53 : vector<16xi32> to vector<1x16xi32>
      tpu.vector_store %arg6[%swap3A, %swap3A_54], %swap3A_57 {strides = array<i32>} : memref<24x128xi32, #tpu.memory_space<vmem>>, vector<1x16xi32>,
      %mul3A_58 = arith.constant 128 : i32
      %mul3A_59 = arith.muli %sub3A_43, %mul3A_58 : i32
      %add3A_60 = arith.constant 16 : i32
      %add3A_61 = arith.addi %mul3A_59, %add3A_60 : i32
      %get3A_62 = arith.index_cast %select_n3A : i32 to index
      %get3A_63 = arith.index_cast %add3A_61 : i32 to index
      %get3A_64 = tpu.vector_load %arg5[%get3A_62, %get3A_63] {strides = array<i32>} : memref<6x512xi32, #tpu.memory_space<vmem>>, vector<1x16xi32>,
      %get3A_65 = vector.shape_cast %get3A_64 : vector<1x16xi32> to vector<16xi32>
      %add3A_66 = arith.addi %get3A_65, %broadcast_in_dim3A : vector<16xi32>
      %swap3A_67 = arith.index_cast %scan3A_23 : i32 to index
      %swap3A_68 = arith.constant 16 : index
      %swap3A_69 = tpu.vector_load %arg6[%swap3A_67, %swap3A_68] {strides = array<i32>} : memref<24x128xi32, #tpu.memory_space<vmem>>, vector<1x16xi32>,
      %swap3A_70 = vector.shape_cast %swap3A_69 : vector<1x16xi32> to vector<16xi32>
      %swap3A_71 = vector.shape_cast %add3A_66 : vector<16xi32> to vector<1x16xi32>
      tpu.vector_store %arg6[%swap3A_67, %swap3A_68], %swap3A_71 {strides = array<i32>} : memref<24x128xi32, #tpu.memory_space<vmem>>, vector<1x16xi32>,
      %mul3A_72 = arith.constant 128 : i32
      %mul3A_73 = arith.muli %sub3A_43, %mul3A_72 : i32
      %add3A_74 = arith.constant 32 : i32
      %add3A_75 = arith.addi %mul3A_73, %add3A_74 : i32
      %get3A_76 = arith.index_cast %select_n3A : i32 to index
      %get3A_77 = arith.index_cast %add3A_75 : i32 to index
      %get3A_78 = tpu.vector_load %arg5[%get3A_76, %get3A_77] {strides = array<i32>} : memref<6x512xi32, #tpu.memory_space<vmem>>, vector<1x16xi32>,
      %get3A_79 = vector.shape_cast %get3A_78 : vector<1x16xi32> to vector<16xi32>
      %add3A_80 = arith.addi %get3A_79, %broadcast_in_dim3A : vector<16xi32>
      %swap3A_81 = arith.index_cast %scan3A_23 : i32 to index
      %swap3A_82 = arith.constant 32 : index
      %swap3A_83 = tpu.vector_load %arg6[%swap3A_81, %swap3A_82] {strides = array<i32>} : memref<24x128xi32, #tpu.memory_space<vmem>>, vector<1x16xi32>,
      %swap3A_84 = vector.shape_cast %swap3A_83 : vector<1x16xi32> to vector<16xi32>
      %swap3A_85 = vector.shape_cast %add3A_80 : vector<16xi32> to vector<1x16xi32>
      tpu.vector_store %arg6[%swap3A_81, %swap3A_82], %swap3A_85 {strides = array<i32>} : memref<24x128xi32, #tpu.memory_space<vmem>>, vector<1x16xi32>,
      %mul3A_86 = arith.constant 128 : i32
      %mul3A_87 = arith.muli %sub3A_43, %mul3A_86 : i32
      %add3A_88 = arith.constant 48 : i32
      %add3A_89 = arith.addi %mul3A_87, %add3A_88 : i32
      %get3A_90 = arith.index_cast %select_n3A : i32 to index
      %get3A_91 = arith.index_cast %add3A_89 : i32 to index
      %get3A_92 = tpu.vector_load %arg5[%get3A_90, %get3A_91] {strides = array<i32>} : memref<6x512xi32, #tpu.memory_space<vmem>>, vector<1x16xi32>,
      %get3A_93 = vector.shape_cast %get3A_92 : vector<1x16xi32> to vector<16xi32>
      %add3A_94 = arith.addi %get3A_93, %broadcast_in_dim3A : vector<16xi32>
      %swap3A_95 = arith.index_cast %scan3A_23 : i32 to index
      %swap3A_96 = arith.constant 48 : index
      %swap3A_97 = tpu.vector_load %arg6[%swap3A_95, %swap3A_96] {strides = array<i32>} : memref<24x128xi32, #tpu.memory_space<vmem>>, vector<1x16xi32>,
      %swap3A_98 = vector.shape_cast %swap3A_97 : vector<1x16xi32> to vector<16xi32>
      %swap3A_99 = vector.shape_cast %add3A_94 : vector<16xi32> to vector<1x16xi32>
      tpu.vector_store %arg6[%swap3A_95, %swap3A_96], %swap3A_99 {strides = array<i32>} : memref<24x128xi32, #tpu.memory_space<vmem>>, vector<1x16xi32>,
      %mul3A_100 = arith.constant 128 : i32
      %mul3A_101 = arith.muli %sub3A_43, %mul3A_100 : i32
      %add3A_102 = arith.constant 64 : i32
      %add3A_103 = arith.addi %mul3A_101, %add3A_102 : i32
      %get3A_104 = arith.index_cast %select_n3A : i32 to index
      %get3A_105 = arith.index_cast %add3A_103 : i32 to index
      %get3A_106 = tpu.vector_load %arg5[%get3A_104, %get3A_105] {strides = array<i32>} : memref<6x512xi32, #tpu.memory_space<vmem>>, vector<1x16xi32>,
      %get3A_107 = vector.shape_cast %get3A_106 : vector<1x16xi32> to vector<16xi32>
      %add3A_108 = arith.addi %get3A_107, %broadcast_in_dim3A : vector<16xi32>
      %swap3A_109 = arith.index_cast %scan3A_23 : i32 to index
      %swap3A_110 = arith.constant 64 : index
      %swap3A_111 = tpu.vector_load %arg6[%swap3A_109, %swap3A_110] {strides = array<i32>} : memref<24x128xi32, #tpu.memory_space<vmem>>, vector<1x16xi32>,
      %swap3A_112 = vector.shape_cast %swap3A_111 : vector<1x16xi32> to vector<16xi32>
      %swap3A_113 = vector.shape_cast %add3A_108 : vector<16xi32> to vector<1x16xi32>
      tpu.vector_store %arg6[%swap3A_109, %swap3A_110], %swap3A_113 {strides = array<i32>} : memref<24x128xi32, #tpu.memory_space<vmem>>, vector<1x16xi32>,
      %mul3A_114 = arith.constant 128 : i32
      %mul3A_115 = arith.muli %sub3A_43, %mul3A_114 : i32
      %add3A_116 = arith.constant 80 : i32
      %add3A_117 = arith.addi %mul3A_115, %add3A_116 : i32
      %get3A_118 = arith.index_cast %select_n3A : i32 to index
      %get3A_119 = arith.index_cast %add3A_117 : i32 to index
      %get3A_120 = tpu.vector_load %arg5[%get3A_118, %get3A_119] {strides = array<i32>} : memref<6x512xi32, #tpu.memory_space<vmem>>, vector<1x16xi32>,
      %get3A_121 = vector.shape_cast %get3A_120 : vector<1x16xi32> to vector<16xi32>
      %add3A_122 = arith.addi %get3A_121, %broadcast_in_dim3A : vector<16xi32>
      %swap3A_123 = arith.index_cast %scan3A_23 : i32 to index
      %swap3A_124 = arith.constant 80 : index
      %swap3A_125 = tpu.vector_load %arg6[%swap3A_123, %swap3A_124] {strides = array<i32>} : memref<24x128xi32, #tpu.memory_space<vmem>>, vector<1x16xi32>,
      %swap3A_126 = vector.shape_cast %swap3A_125 : vector<1x16xi32> to vector<16xi32>
      %swap3A_127 = vector.shape_cast %add3A_122 : vector<16xi32> to vector<1x16xi32>
      tpu.vector_store %arg6[%swap3A_123, %swap3A_124], %swap3A_127 {strides = array<i32>} : memref<24x128xi32, #tpu.memory_space<vmem>>, vector<1x16xi32>,
      %mul3A_128 = arith.constant 128 : i32
      %mul3A_129 = arith.muli %sub3A_43, %mul3A_128 : i32
      %add3A_130 = arith.constant 96 : i32
      %add3A_131 = arith.addi %mul3A_129, %add3A_130 : i32
      %get3A_132 = arith.index_cast %select_n3A : i32 to index
      %get3A_133 = arith.index_cast %add3A_131 : i32 to index
      %get3A_134 = tpu.vector_load %arg5[%get3A_132, %get3A_133] {strides = array<i32>} : memref<6x512xi32, #tpu.memory_space<vmem>>, vector<1x16xi32>,
      %get3A_135 = vector.shape_cast %get3A_134 : vector<1x16xi32> to vector<16xi32>
      %add3A_136 = arith.addi %get3A_135, %broadcast_in_dim3A : vector<16xi32>
      %swap3A_137 = arith.index_cast %scan3A_23 : i32 to index
      %swap3A_138 = arith.constant 96 : index
      %swap3A_139 = tpu.vector_load %arg6[%swap3A_137, %swap3A_138] {strides = array<i32>} : memref<24x128xi32, #tpu.memory_space<vmem>>, vector<1x16xi32>,
      %swap3A_140 = vector.shape_cast %swap3A_139 : vector<1x16xi32> to vector<16xi32>
      %swap3A_141 = vector.shape_cast %add3A_136 : vector<16xi32> to vector<1x16xi32>
      tpu.vector_store %arg6[%swap3A_137, %swap3A_138], %swap3A_141 {strides = array<i32>} : memref<24x128xi32, #tpu.memory_space<vmem>>, vector<1x16xi32>,
      %mul3A_142 = arith.constant 128 : i32
      %mul3A_143 = arith.muli %sub3A_43, %mul3A_142 : i32
      %add3A_144 = arith.constant 112 : i32
      %add3A_145 = arith.addi %mul3A_143, %add3A_144 : i32
      %get3A_146 = arith.index_cast %select_n3A : i32 to index
      %get3A_147 = arith.index_cast %add3A_145 : i32 to index
      %get3A_148 = tpu.vector_load %arg5[%get3A_146, %get3A_147] {strides = array<i32>} : memref<6x512xi32, #tpu.memory_space<vmem>>, vector<1x16xi32>,
      %get3A_149 = vector.shape_cast %get3A_148 : vector<1x16xi32> to vector<16xi32>
      %add3A_150 = arith.addi %get3A_149, %broadcast_in_dim3A : vector<16xi32>
      %swap3A_151 = arith.index_cast %scan3A_23 : i32 to index
      %swap3A_152 = arith.constant 112 : index
      %swap3A_153 = tpu.vector_load %arg6[%swap3A_151, %swap3A_152] {strides = array<i32>} : memref<24x128xi32, #tpu.memory_space<vmem>>, vector<1x16xi32>,
      %swap3A_154 = vector.shape_cast %swap3A_153 : vector<1x16xi32> to vector<16xi32>
      %swap3A_155 = vector.shape_cast %add3A_150 : vector<16xi32> to vector<1x16xi32>
      tpu.vector_store %arg6[%swap3A_151, %swap3A_152], %swap3A_155 {strides = array<i32>} : memref<24x128xi32, #tpu.memory_space<vmem>>, vector<1x16xi32>,
      %mul3A_156 = arith.constant 128 : i32
      %mul3A_157 = arith.muli %scan3A_23, %mul3A_156 : i32
      %dma_start3A = tpu.memref_slice %arg7[%mul3A_157] : memref<3072xf32, #tpu.memory_space<vmem>> -> memref<128xf32, #tpu.memory_space<vmem>>
      %dma_start3A_158 = arith.constant 0 : i32
      %dma_start3A_159 = tpu.memref_slice %arg6[%scan3A_23, %dma_start3A_158] : memref<24x128xi32, #tpu.memory_space<vmem>> -> memref<1x128xi32, #tpu.memory_space<vmem>>
      %dma_start3A_160 = tpu.memref_squeeze %dma_start3A_159 : memref<1x128xi32, #tpu.memory_space<vmem>> -> memref<128xi32, #tpu.memory_space<vmem>>
      %dma_start3A_161 = arith.constant 0 : i32
      %dma_start3A_162 = tpu.memref_slice %arg3[%dma_start3A_161] : memref<6000000xf32, #tpu.memory_space<hbm>> -> memref<6000000xf32, #tpu.memory_space<hbm>>
      tpu.enqueue_indirect_dma source(%dma_start3A_162 : memref<6000000xf32, #tpu.memory_space<hbm>>) target(%dma_start3A : memref<128xf32, #tpu.memory_space<vmem>>) offsets(%dma_start3A_160 : memref<128xi32, #tpu.memory_space<vmem>>) semaphore(%arg9 : memref<!tpu.dma_semaphore, #tpu.memory_space<semaphore_mem>>)
      %scan3A_163 = arith.constant 0 : i32
      scf.yield %scan3A_163 : i32
    }
    %scan3A_8 = arith.constant 24 : i32
    %scan3A_9 = arith.constant 0 : i32
    %scan3A_10 = arith.constant 0 : i32
    %scan3A_11 = arith.constant 24 : i32
    %scan3A_12 = arith.addi %scan3A_10, %scan3A_11 : i32
    %scan3A_13 = arith.constant 1 : i32
    %scan3A_14 = scf.for %scan3A_23 = %scan3A_10 to %scan3A_12 step %scan3A_13 iter_args(%scan3A_24 = %scan3A_9) -> (i32)  : i32 {
      %dma_wait3A = arith.constant 0 : i32
      %dma_wait3A_25 = arith.constant 0 : i32
      %dma_wait3A_26 = tpu.memref_slice %arg7[%dma_wait3A_25] : memref<3072xf32, #tpu.memory_space<vmem>> -> memref<128xf32, #tpu.memory_space<vmem>>
      %dma_wait3A_27 = arith.constant 0 : i32
      %dma_wait3A_28 = tpu.memref_slice %arg6[%dma_wait3A, %dma_wait3A_27] : memref<24x128xi32, #tpu.memory_space<vmem>> -> memref<1x128xi32, #tpu.memory_space<vmem>>
      %dma_wait3A_29 = tpu.memref_squeeze %dma_wait3A_28 : memref<1x128xi32, #tpu.memory_space<vmem>> -> memref<128xi32, #tpu.memory_space<vmem>>
      %dma_wait3A_30 = arith.constant 0 : i32
      %dma_wait3A_31 = tpu.memref_slice %arg3[%dma_wait3A_30] : memref<6000000xf32, #tpu.memory_space<hbm>> -> memref<6000000xf32, #tpu.memory_space<hbm>>
      tpu.wait_indirect_dma semaphore(%arg9 : memref<!tpu.dma_semaphore, #tpu.memory_space<semaphore_mem>>) src(%dma_wait3A_31 : memref<6000000xf32, #tpu.memory_space<hbm>>) dst(%dma_wait3A_26 : memref<128xf32, #tpu.memory_space<vmem>>)
      %scan3A_32 = arith.constant 0 : i32
      scf.yield %scan3A_32 : i32
    }
    %scan3A_15 = arith.constant 24 : i32
    %scan3A_16 = arith.constant 0 : i32
    %scan3A_17 = arith.constant 0 : i32
    %scan3A_18 = arith.constant 32 : i32
    %scan3A_19 = arith.addi %scan3A_17, %scan3A_18 : i32
    %scan3A_20 = arith.constant 1 : i32
    %scan3A_21 = scf.for %scan3A_23 = %scan3A_17 to %scan3A_19 step %scan3A_20 iter_args(%scan3A_24 = %scan3A_16) -> (i32)  : i32 {
      %broadcast_in_dim3A = arith.constant 0.000000e+00 : f32
      %broadcast_in_dim3A_25 = vector.broadcast %broadcast_in_dim3A : f32 to vector<16xf32>
      %scan3A_26 = arith.constant 0 : i32
      %scan3A_27 = arith.constant 6 : i32
      %scan3A_28 = arith.addi %scan3A_26, %scan3A_27 : i32
      %scan3A_29 = arith.constant 1 : i32
      %scan3A_30 = scf.for %scan3A_38 = %scan3A_26 to %scan3A_28 step %scan3A_29 iter_args(%scan3A_39 = %broadcast_in_dim3A_25) -> (vector<16xf32>)  : i32 {
        %mul3A_40 = arith.constant 512 : i32
        %mul3A_41 = arith.muli %scan3A_38, %mul3A_40 : i32
        %mul3A_42 = arith.constant 16 : i32
        %mul3A_43 = arith.muli %scan3A_23, %mul3A_42 : i32
        %add3A_44 = arith.addi %mul3A_41, %mul3A_43 : i32
        %get3A = arith.index_cast %add3A_44 : i32 to index
        %get3A_45 = tpu.vector_load %arg7[%get3A] {strides = array<i32>} : memref<3072xf32, #tpu.memory_space<vmem>>, vector<16xf32>,
        %get3A_46 = vector.shape_cast %get3A_45 : vector<16xf32> to vector<16xf32>
        %add3A_47 = arith.addf %scan3A_39, %get3A_46 : vector<16xf32>
        scf.yield %add3A_47 : vector<16xf32>
      }
      %scan3A_31 = arith.constant 6 : i32
      %mul3A_32 = arith.constant 16 : i32
      %mul3A_33 = arith.muli %scan3A_23, %mul3A_32 : i32
      %swap3A = arith.index_cast %mul3A_33 : i32 to index
      %swap3A_34 = tpu.vector_load %arg8[%swap3A] {strides = array<i32>} : memref<512xf32, #tpu.memory_space<vmem>>, vector<16xf32>,
      %swap3A_35 = vector.shape_cast %swap3A_34 : vector<16xf32> to vector<16xf32>
      %swap3A_36 = vector.shape_cast %scan3A_30 : vector<16xf32> to vector<16xf32>
      tpu.vector_store %arg8[%swap3A], %swap3A_36 {strides = array<i32>} : memref<512xf32, #tpu.memory_space<vmem>>, vector<16xf32>,
      %scan3A_37 = arith.constant 0 : i32
      scf.yield %scan3A_37 : i32
    }
    %scan3A_22 = arith.constant 32 : i32
    "tpu.region"() ({
      %run_scoped3A = tpu.sem_alloc : memref<!tpu.dma_semaphore, #tpu.memory_space<semaphore_mem>>
      %dma_start3A = tpu.memref_slice %arg4[%mul3A_2] : memref<16384xf32, #tpu.memory_space<hbm>> -> memref<512xf32, #tpu.memory_space<hbm>>
      %dma_start3A_23 = tpu.memref_slice %arg4[%mul3A_2] : memref<16384xf32, #tpu.memory_space<hbm>> -> memref<512xf32, #tpu.memory_space<hbm>>
      tpu.enqueue_dma source(%arg8 : memref<512xf32, #tpu.memory_space<vmem>>) target(%dma_start3A_23 : memref<512xf32, #tpu.memory_space<hbm>>) target_semaphore(%run_scoped3A : memref<!tpu.dma_semaphore, #tpu.memory_space<semaphore_mem>>)
      %dma_wait3A = tpu.memref_slice %arg4[%mul3A_2] : memref<16384xf32, #tpu.memory_space<hbm>> -> memref<512xf32, #tpu.memory_space<hbm>>
      %dma_wait3A_24 = tpu.memref_slice %arg4[%mul3A_2] : memref<16384xf32, #tpu.memory_space<hbm>> -> memref<512xf32, #tpu.memory_space<hbm>>
      tpu.wait_dma2 semaphore(%run_scoped3A : memref<!tpu.dma_semaphore, #tpu.memory_space<semaphore_mem>>) src(%arg8 : memref<512xf32, #tpu.memory_space<vmem>>) dst(%dma_wait3A_24 : memref<512xf32, #tpu.memory_space<hbm>>)
      tpu.yield
    }) : () -> ()
    return
  }
}

#map = affine_map<(d0, d1) -> (0, 0)>
#map1 = affine_map<(d0, d1) -> (0)>
module attributes {stable_mosaic.version = 14 : i64} {
  func.func @_group_body(%arg0: i32, %arg1: i32, %arg2: memref<6x16384xi32, #tpu.memory_space<hbm>>, %arg3: memref<6000000xf32, #tpu.memory_space<hbm>>, %arg4: memref<16384xf32, #tpu.memory_space<hbm>>, %arg5: memref<6x512xi32, #tpu.memory_space<vmem>>, %arg6: memref<24x128xi32, #tpu.memory_space<vmem>>, %arg7: memref<3072xf32, #tpu.memory_space<vmem>>, %arg8: memref<512xf32, #tpu.memory_space<vmem>>, %arg9: memref<!tpu.dma_semaphore, #tpu.memory_space<semaphore_mem>>) attributes {dimension_semantics = [#tpu.dimension_semantics<core_parallel>, #tpu.dimension_semantics<subcore_parallel>], iteration_bounds = array<i64: 2, 16>, scalar_prefetch = 0 : i64, scratch_operands = 5 : i64, tpu.core_type = #tpu.core_type<sc_vector_subcore>, window_params = [{transform_indices = #map}, {transform_indices = #map1}, {transform_indices = #map1}]} {
    %mul3A = arith.constant 2 : i32
    %mul3A_0 = arith.muli %arg1, %mul3A : i32
    %add3A = arith.addi %mul3A_0, %arg0 : i32
    %mul3A_1 = arith.constant 512 : i32
    %mul3A_2 = arith.muli %add3A, %mul3A_1 : i32
    "tpu.region"() ({
      %run_scoped3A = tpu.sem_alloc : memref<!tpu.dma_semaphore, #tpu.memory_space<semaphore_mem>>
      %dma_start3A = arith.constant 0 : i32
      %dma_start3A_23 = tpu.memref_slice %arg2[%dma_start3A, %mul3A_2] : memref<6x16384xi32, #tpu.memory_space<hbm>> -> memref<6x512xi32, #tpu.memory_space<hbm>>
      %dma_start3A_24 = arith.constant 0 : i32
      %dma_start3A_25 = tpu.memref_slice %arg2[%dma_start3A_24, %mul3A_2] : memref<6x16384xi32, #tpu.memory_space<hbm>> -> memref<6x512xi32, #tpu.memory_space<hbm>>
      tpu.enqueue_dma source(%dma_start3A_25 : memref<6x512xi32, #tpu.memory_space<hbm>>) target(%arg5 : memref<6x512xi32, #tpu.memory_space<vmem>>) target_semaphore(%run_scoped3A : memref<!tpu.dma_semaphore, #tpu.memory_space<semaphore_mem>>)
      %dma_wait3A = arith.constant 0 : i32
      %dma_wait3A_26 = tpu.memref_slice %arg2[%dma_wait3A, %mul3A_2] : memref<6x16384xi32, #tpu.memory_space<hbm>> -> memref<6x512xi32, #tpu.memory_space<hbm>>
      %dma_wait3A_27 = arith.constant 0 : i32
      %dma_wait3A_28 = tpu.memref_slice %arg2[%dma_wait3A_27, %mul3A_2] : memref<6x16384xi32, #tpu.memory_space<hbm>> -> memref<6x512xi32, #tpu.memory_space<hbm>>
      tpu.wait_dma2 semaphore(%run_scoped3A : memref<!tpu.dma_semaphore, #tpu.memory_space<semaphore_mem>>) src(%dma_wait3A_28 : memref<6x512xi32, #tpu.memory_space<hbm>>) dst(%arg5 : memref<6x512xi32, #tpu.memory_space<vmem>>)
      tpu.yield
    }) : () -> ()
    %scan3A = arith.constant 0 : i32
    %scan3A_3 = arith.constant 0 : i32
    %scan3A_4 = arith.constant 24 : i32
    %scan3A_5 = arith.addi %scan3A_3, %scan3A_4 : i32
    %scan3A_6 = arith.constant 1 : i32
    %scan3A_7 = scf.for %scan3A_23 = %scan3A_3 to %scan3A_5 step %scan3A_6 iter_args(%scan3A_24 = %scan3A) -> (i32)  : i32 {
      %jit3A = arith.constant 4 : i32
      %div3A = arith.divsi %scan3A_23, %jit3A : i32
      %sign3A = arith.constant 0 : i32
      %sign3A_25 = arith.cmpi sgt, %scan3A_23, %sign3A : i32
      %sign3A_26 = arith.extui %sign3A_25 : i1 to i32
      %sign3A_27 = arith.constant 0 : i32
      %sign3A_28 = arith.cmpi slt, %scan3A_23, %sign3A_27 : i32
      %sign3A_29 = arith.extui %sign3A_28 : i1 to i32
      %sign3A_30 = arith.subi %sign3A_26, %sign3A_29 : i32
      %sign3A_31 = arith.constant 0 : i32
      %sign3A_32 = arith.cmpi sgt, %jit3A, %sign3A_31 : i32
      %sign3A_33 = arith.extui %sign3A_32 : i1 to i32
      %sign3A_34 = arith.constant 0 : i32
      %sign3A_35 = arith.cmpi slt, %jit3A, %sign3A_34 : i32
      %sign3A_36 = arith.extui %sign3A_35 : i1 to i32
      %sign3A_37 = arith.subi %sign3A_33, %sign3A_36 : i32
      %ne3A = arith.cmpi ne, %sign3A_30, %sign3A_37 : i32
      %rem3A = arith.remsi %scan3A_23, %jit3A : i32
      %ne3A_38 = arith.constant 0 : i32
      %ne3A_39 = arith.cmpi ne, %rem3A, %ne3A_38 : i32
      %and3A = arith.andi %ne3A, %ne3A_39 : i1
      %sub3A = arith.constant 1 : i32
      %sub3A_40 = arith.subi %div3A, %sub3A : i32
      %select_n3A = arith.select %and3A, %sub3A_40, %div3A : i32
      %mul3A_41 = arith.constant 4 : i32
      %mul3A_42 = arith.muli %select_n3A, %mul3A_41 : i32
      %sub3A_43 = arith.subi %scan3A_23, %mul3A_42 : i32
      %mul3A_44 = arith.constant 1000000 : i32
      %mul3A_45 = arith.muli %select_n3A, %mul3A_44 : i32
      %broadcast_in_dim3A = vector.broadcast %mul3A_45 : i32 to vector<16xi32>
      %mul3A_46 = arith.constant 128 : i32
      %mul3A_47 = arith.muli %sub3A_43, %mul3A_46 : i32
      %add3A_48 = arith.constant 0 : i32
      %add3A_49 = arith.addi %mul3A_47, %add3A_48 : i32
      %get3A = arith.index_cast %select_n3A : i32 to index
      %get3A_50 = arith.index_cast %add3A_49 : i32 to index
      %get3A_51 = tpu.vector_load %arg5[%get3A, %get3A_50] {strides = array<i32>} : memref<6x512xi32, #tpu.memory_space<vmem>>, vector<1x16xi32>,
      %get3A_52 = vector.shape_cast %get3A_51 : vector<1x16xi32> to vector<16xi32>
      %add3A_53 = arith.addi %get3A_52, %broadcast_in_dim3A : vector<16xi32>
      %swap3A = arith.index_cast %scan3A_23 : i32 to index
      %swap3A_54 = arith.constant 0 : index
      %swap3A_55 = tpu.vector_load %arg6[%swap3A, %swap3A_54] {strides = array<i32>} : memref<24x128xi32, #tpu.memory_space<vmem>>, vector<1x16xi32>,
      %swap3A_56 = vector.shape_cast %swap3A_55 : vector<1x16xi32> to vector<16xi32>
      %swap3A_57 = vector.shape_cast %add3A_53 : vector<16xi32> to vector<1x16xi32>
      tpu.vector_store %arg6[%swap3A, %swap3A_54], %swap3A_57 {strides = array<i32>} : memref<24x128xi32, #tpu.memory_space<vmem>>, vector<1x16xi32>,
      %mul3A_58 = arith.constant 128 : i32
      %mul3A_59 = arith.muli %sub3A_43, %mul3A_58 : i32
      %add3A_60 = arith.constant 16 : i32
      %add3A_61 = arith.addi %mul3A_59, %add3A_60 : i32
      %get3A_62 = arith.index_cast %select_n3A : i32 to index
      %get3A_63 = arith.index_cast %add3A_61 : i32 to index
      %get3A_64 = tpu.vector_load %arg5[%get3A_62, %get3A_63] {strides = array<i32>} : memref<6x512xi32, #tpu.memory_space<vmem>>, vector<1x16xi32>,
      %get3A_65 = vector.shape_cast %get3A_64 : vector<1x16xi32> to vector<16xi32>
      %add3A_66 = arith.addi %get3A_65, %broadcast_in_dim3A : vector<16xi32>
      %swap3A_67 = arith.index_cast %scan3A_23 : i32 to index
      %swap3A_68 = arith.constant 16 : index
      %swap3A_69 = tpu.vector_load %arg6[%swap3A_67, %swap3A_68] {strides = array<i32>} : memref<24x128xi32, #tpu.memory_space<vmem>>, vector<1x16xi32>,
      %swap3A_70 = vector.shape_cast %swap3A_69 : vector<1x16xi32> to vector<16xi32>
      %swap3A_71 = vector.shape_cast %add3A_66 : vector<16xi32> to vector<1x16xi32>
      tpu.vector_store %arg6[%swap3A_67, %swap3A_68], %swap3A_71 {strides = array<i32>} : memref<24x128xi32, #tpu.memory_space<vmem>>, vector<1x16xi32>,
      %mul3A_72 = arith.constant 128 : i32
      %mul3A_73 = arith.muli %sub3A_43, %mul3A_72 : i32
      %add3A_74 = arith.constant 32 : i32
      %add3A_75 = arith.addi %mul3A_73, %add3A_74 : i32
      %get3A_76 = arith.index_cast %select_n3A : i32 to index
      %get3A_77 = arith.index_cast %add3A_75 : i32 to index
      %get3A_78 = tpu.vector_load %arg5[%get3A_76, %get3A_77] {strides = array<i32>} : memref<6x512xi32, #tpu.memory_space<vmem>>, vector<1x16xi32>,
      %get3A_79 = vector.shape_cast %get3A_78 : vector<1x16xi32> to vector<16xi32>
      %add3A_80 = arith.addi %get3A_79, %broadcast_in_dim3A : vector<16xi32>
      %swap3A_81 = arith.index_cast %scan3A_23 : i32 to index
      %swap3A_82 = arith.constant 32 : index
      %swap3A_83 = tpu.vector_load %arg6[%swap3A_81, %swap3A_82] {strides = array<i32>} : memref<24x128xi32, #tpu.memory_space<vmem>>, vector<1x16xi32>,
      %swap3A_84 = vector.shape_cast %swap3A_83 : vector<1x16xi32> to vector<16xi32>
      %swap3A_85 = vector.shape_cast %add3A_80 : vector<16xi32> to vector<1x16xi32>
      tpu.vector_store %arg6[%swap3A_81, %swap3A_82], %swap3A_85 {strides = array<i32>} : memref<24x128xi32, #tpu.memory_space<vmem>>, vector<1x16xi32>,
      %mul3A_86 = arith.constant 128 : i32
      %mul3A_87 = arith.muli %sub3A_43, %mul3A_86 : i32
      %add3A_88 = arith.constant 48 : i32
      %add3A_89 = arith.addi %mul3A_87, %add3A_88 : i32
      %get3A_90 = arith.index_cast %select_n3A : i32 to index
      %get3A_91 = arith.index_cast %add3A_89 : i32 to index
      %get3A_92 = tpu.vector_load %arg5[%get3A_90, %get3A_91] {strides = array<i32>} : memref<6x512xi32, #tpu.memory_space<vmem>>, vector<1x16xi32>,
      %get3A_93 = vector.shape_cast %get3A_92 : vector<1x16xi32> to vector<16xi32>
      %add3A_94 = arith.addi %get3A_93, %broadcast_in_dim3A : vector<16xi32>
      %swap3A_95 = arith.index_cast %scan3A_23 : i32 to index
      %swap3A_96 = arith.constant 48 : index
      %swap3A_97 = tpu.vector_load %arg6[%swap3A_95, %swap3A_96] {strides = array<i32>} : memref<24x128xi32, #tpu.memory_space<vmem>>, vector<1x16xi32>,
      %swap3A_98 = vector.shape_cast %swap3A_97 : vector<1x16xi32> to vector<16xi32>
      %swap3A_99 = vector.shape_cast %add3A_94 : vector<16xi32> to vector<1x16xi32>
      tpu.vector_store %arg6[%swap3A_95, %swap3A_96], %swap3A_99 {strides = array<i32>} : memref<24x128xi32, #tpu.memory_space<vmem>>, vector<1x16xi32>,
      %mul3A_100 = arith.constant 128 : i32
      %mul3A_101 = arith.muli %sub3A_43, %mul3A_100 : i32
      %add3A_102 = arith.constant 64 : i32
      %add3A_103 = arith.addi %mul3A_101, %add3A_102 : i32
      %get3A_104 = arith.index_cast %select_n3A : i32 to index
      %get3A_105 = arith.index_cast %add3A_103 : i32 to index
      %get3A_106 = tpu.vector_load %arg5[%get3A_104, %get3A_105] {strides = array<i32>} : memref<6x512xi32, #tpu.memory_space<vmem>>, vector<1x16xi32>,
      %get3A_107 = vector.shape_cast %get3A_106 : vector<1x16xi32> to vector<16xi32>
      %add3A_108 = arith.addi %get3A_107, %broadcast_in_dim3A : vector<16xi32>
      %swap3A_109 = arith.index_cast %scan3A_23 : i32 to index
      %swap3A_110 = arith.constant 64 : index
      %swap3A_111 = tpu.vector_load %arg6[%swap3A_109, %swap3A_110] {strides = array<i32>} : memref<24x128xi32, #tpu.memory_space<vmem>>, vector<1x16xi32>,
      %swap3A_112 = vector.shape_cast %swap3A_111 : vector<1x16xi32> to vector<16xi32>
      %swap3A_113 = vector.shape_cast %add3A_108 : vector<16xi32> to vector<1x16xi32>
      tpu.vector_store %arg6[%swap3A_109, %swap3A_110], %swap3A_113 {strides = array<i32>} : memref<24x128xi32, #tpu.memory_space<vmem>>, vector<1x16xi32>,
      %mul3A_114 = arith.constant 128 : i32
      %mul3A_115 = arith.muli %sub3A_43, %mul3A_114 : i32
      %add3A_116 = arith.constant 80 : i32
      %add3A_117 = arith.addi %mul3A_115, %add3A_116 : i32
      %get3A_118 = arith.index_cast %select_n3A : i32 to index
      %get3A_119 = arith.index_cast %add3A_117 : i32 to index
      %get3A_120 = tpu.vector_load %arg5[%get3A_118, %get3A_119] {strides = array<i32>} : memref<6x512xi32, #tpu.memory_space<vmem>>, vector<1x16xi32>,
      %get3A_121 = vector.shape_cast %get3A_120 : vector<1x16xi32> to vector<16xi32>
      %add3A_122 = arith.addi %get3A_121, %broadcast_in_dim3A : vector<16xi32>
      %swap3A_123 = arith.index_cast %scan3A_23 : i32 to index
      %swap3A_124 = arith.constant 80 : index
      %swap3A_125 = tpu.vector_load %arg6[%swap3A_123, %swap3A_124] {strides = array<i32>} : memref<24x128xi32, #tpu.memory_space<vmem>>, vector<1x16xi32>,
      %swap3A_126 = vector.shape_cast %swap3A_125 : vector<1x16xi32> to vector<16xi32>
      %swap3A_127 = vector.shape_cast %add3A_122 : vector<16xi32> to vector<1x16xi32>
      tpu.vector_store %arg6[%swap3A_123, %swap3A_124], %swap3A_127 {strides = array<i32>} : memref<24x128xi32, #tpu.memory_space<vmem>>, vector<1x16xi32>,
      %mul3A_128 = arith.constant 128 : i32
      %mul3A_129 = arith.muli %sub3A_43, %mul3A_128 : i32
      %add3A_130 = arith.constant 96 : i32
      %add3A_131 = arith.addi %mul3A_129, %add3A_130 : i32
      %get3A_132 = arith.index_cast %select_n3A : i32 to index
      %get3A_133 = arith.index_cast %add3A_131 : i32 to index
      %get3A_134 = tpu.vector_load %arg5[%get3A_132, %get3A_133] {strides = array<i32>} : memref<6x512xi32, #tpu.memory_space<vmem>>, vector<1x16xi32>,
      %get3A_135 = vector.shape_cast %get3A_134 : vector<1x16xi32> to vector<16xi32>
      %add3A_136 = arith.addi %get3A_135, %broadcast_in_dim3A : vector<16xi32>
      %swap3A_137 = arith.index_cast %scan3A_23 : i32 to index
      %swap3A_138 = arith.constant 96 : index
      %swap3A_139 = tpu.vector_load %arg6[%swap3A_137, %swap3A_138] {strides = array<i32>} : memref<24x128xi32, #tpu.memory_space<vmem>>, vector<1x16xi32>,
      %swap3A_140 = vector.shape_cast %swap3A_139 : vector<1x16xi32> to vector<16xi32>
      %swap3A_141 = vector.shape_cast %add3A_136 : vector<16xi32> to vector<1x16xi32>
      tpu.vector_store %arg6[%swap3A_137, %swap3A_138], %swap3A_141 {strides = array<i32>} : memref<24x128xi32, #tpu.memory_space<vmem>>, vector<1x16xi32>,
      %mul3A_142 = arith.constant 128 : i32
      %mul3A_143 = arith.muli %sub3A_43, %mul3A_142 : i32
      %add3A_144 = arith.constant 112 : i32
      %add3A_145 = arith.addi %mul3A_143, %add3A_144 : i32
      %get3A_146 = arith.index_cast %select_n3A : i32 to index
      %get3A_147 = arith.index_cast %add3A_145 : i32 to index
      %get3A_148 = tpu.vector_load %arg5[%get3A_146, %get3A_147] {strides = array<i32>} : memref<6x512xi32, #tpu.memory_space<vmem>>, vector<1x16xi32>,
      %get3A_149 = vector.shape_cast %get3A_148 : vector<1x16xi32> to vector<16xi32>
      %add3A_150 = arith.addi %get3A_149, %broadcast_in_dim3A : vector<16xi32>
      %swap3A_151 = arith.index_cast %scan3A_23 : i32 to index
      %swap3A_152 = arith.constant 112 : index
      %swap3A_153 = tpu.vector_load %arg6[%swap3A_151, %swap3A_152] {strides = array<i32>} : memref<24x128xi32, #tpu.memory_space<vmem>>, vector<1x16xi32>,
      %swap3A_154 = vector.shape_cast %swap3A_153 : vector<1x16xi32> to vector<16xi32>
      %swap3A_155 = vector.shape_cast %add3A_150 : vector<16xi32> to vector<1x16xi32>
      tpu.vector_store %arg6[%swap3A_151, %swap3A_152], %swap3A_155 {strides = array<i32>} : memref<24x128xi32, #tpu.memory_space<vmem>>, vector<1x16xi32>,
      %mul3A_156 = arith.constant 128 : i32
      %mul3A_157 = arith.muli %scan3A_23, %mul3A_156 : i32
      %dma_start3A = tpu.memref_slice %arg7[%mul3A_157] : memref<3072xf32, #tpu.memory_space<vmem>> -> memref<128xf32, #tpu.memory_space<vmem>>
      %dma_start3A_158 = arith.constant 0 : i32
      %dma_start3A_159 = tpu.memref_slice %arg6[%scan3A_23, %dma_start3A_158] : memref<24x128xi32, #tpu.memory_space<vmem>> -> memref<1x128xi32, #tpu.memory_space<vmem>>
      %dma_start3A_160 = tpu.memref_squeeze %dma_start3A_159 : memref<1x128xi32, #tpu.memory_space<vmem>> -> memref<128xi32, #tpu.memory_space<vmem>>
      %dma_start3A_161 = arith.constant 0 : i32
      %dma_start3A_162 = tpu.memref_slice %arg3[%dma_start3A_161] : memref<6000000xf32, #tpu.memory_space<hbm>> -> memref<6000000xf32, #tpu.memory_space<hbm>>
      tpu.enqueue_indirect_dma source(%dma_start3A_162 : memref<6000000xf32, #tpu.memory_space<hbm>>) target(%dma_start3A : memref<128xf32, #tpu.memory_space<vmem>>) offsets(%dma_start3A_160 : memref<128xi32, #tpu.memory_space<vmem>>) semaphore(%arg9 : memref<!tpu.dma_semaphore, #tpu.memory_space<semaphore_mem>>)
      %scan3A_163 = arith.constant 0 : i32
      scf.yield %scan3A_163 : i32
    }
    %scan3A_8 = arith.constant 24 : i32
    %scan3A_9 = arith.constant 0 : i32
    %scan3A_10 = arith.constant 0 : i32
    %scan3A_11 = arith.constant 24 : i32
    %scan3A_12 = arith.addi %scan3A_10, %scan3A_11 : i32
    %scan3A_13 = arith.constant 1 : i32
    %scan3A_14 = scf.for %scan3A_23 = %scan3A_10 to %scan3A_12 step %scan3A_13 iter_args(%scan3A_24 = %scan3A_9) -> (i32)  : i32 {
      %dma_wait3A = arith.constant 0 : i32
      %dma_wait3A_25 = arith.constant 0 : i32
      %dma_wait3A_26 = tpu.memref_slice %arg7[%dma_wait3A_25] : memref<3072xf32, #tpu.memory_space<vmem>> -> memref<128xf32, #tpu.memory_space<vmem>>
      %dma_wait3A_27 = arith.constant 0 : i32
      %dma_wait3A_28 = tpu.memref_slice %arg6[%dma_wait3A, %dma_wait3A_27] : memref<24x128xi32, #tpu.memory_space<vmem>> -> memref<1x128xi32, #tpu.memory_space<vmem>>
      %dma_wait3A_29 = tpu.memref_squeeze %dma_wait3A_28 : memref<1x128xi32, #tpu.memory_space<vmem>> -> memref<128xi32, #tpu.memory_space<vmem>>
      %dma_wait3A_30 = arith.constant 0 : i32
      %dma_wait3A_31 = tpu.memref_slice %arg3[%dma_wait3A_30] : memref<6000000xf32, #tpu.memory_space<hbm>> -> memref<6000000xf32, #tpu.memory_space<hbm>>
      tpu.wait_indirect_dma semaphore(%arg9 : memref<!tpu.dma_semaphore, #tpu.memory_space<semaphore_mem>>) src(%dma_wait3A_31 : memref<6000000xf32, #tpu.memory_space<hbm>>) dst(%dma_wait3A_26 : memref<128xf32, #tpu.memory_space<vmem>>)
      %scan3A_32 = arith.constant 0 : i32
      scf.yield %scan3A_32 : i32
    }
    %scan3A_15 = arith.constant 24 : i32
    %scan3A_16 = arith.constant 0 : i32
    %scan3A_17 = arith.constant 0 : i32
    %scan3A_18 = arith.constant 32 : i32
    %scan3A_19 = arith.addi %scan3A_17, %scan3A_18 : i32
    %scan3A_20 = arith.constant 1 : i32
    %scan3A_21 = scf.for %scan3A_23 = %scan3A_17 to %scan3A_19 step %scan3A_20 iter_args(%scan3A_24 = %scan3A_16) -> (i32)  : i32 {
      %broadcast_in_dim3A = arith.constant 0.000000e+00 : f32
      %broadcast_in_dim3A_25 = vector.broadcast %broadcast_in_dim3A : f32 to vector<16xf32>
      %scan3A_26 = arith.constant 0 : i32
      %scan3A_27 = arith.constant 6 : i32
      %scan3A_28 = arith.addi %scan3A_26, %scan3A_27 : i32
      %scan3A_29 = arith.constant 1 : i32
      %scan3A_30 = scf.for %scan3A_38 = %scan3A_26 to %scan3A_28 step %scan3A_29 iter_args(%scan3A_39 = %broadcast_in_dim3A_25) -> (vector<16xf32>)  : i32 {
        %mul3A_40 = arith.constant 512 : i32
        %mul3A_41 = arith.muli %scan3A_38, %mul3A_40 : i32
        %mul3A_42 = arith.constant 16 : i32
        %mul3A_43 = arith.muli %scan3A_23, %mul3A_42 : i32
        %add3A_44 = arith.addi %mul3A_41, %mul3A_43 : i32
        %get3A = arith.index_cast %add3A_44 : i32 to index
        %get3A_45 = tpu.vector_load %arg7[%get3A] {strides = array<i32>} : memref<3072xf32, #tpu.memory_space<vmem>>, vector<16xf32>,
        %get3A_46 = vector.shape_cast %get3A_45 : vector<16xf32> to vector<16xf32>
        %add3A_47 = arith.addf %scan3A_39, %get3A_46 : vector<16xf32>
        scf.yield %add3A_47 : vector<16xf32>
      }
      %scan3A_31 = arith.constant 6 : i32
      %mul3A_32 = arith.constant 16 : i32
      %mul3A_33 = arith.muli %scan3A_23, %mul3A_32 : i32
      %swap3A = arith.index_cast %mul3A_33 : i32 to index
      %swap3A_34 = tpu.vector_load %arg8[%swap3A] {strides = array<i32>} : memref<512xf32, #tpu.memory_space<vmem>>, vector<16xf32>,
      %swap3A_35 = vector.shape_cast %swap3A_34 : vector<16xf32> to vector<16xf32>
      %swap3A_36 = vector.shape_cast %scan3A_30 : vector<16xf32> to vector<16xf32>
      tpu.vector_store %arg8[%swap3A], %swap3A_36 {strides = array<i32>} : memref<512xf32, #tpu.memory_space<vmem>>, vector<16xf32>,
      %scan3A_37 = arith.constant 0 : i32
      scf.yield %scan3A_37 : i32
    }
    %scan3A_22 = arith.constant 32 : i32
    "tpu.region"() ({
      %run_scoped3A = tpu.sem_alloc : memref<!tpu.dma_semaphore, #tpu.memory_space<semaphore_mem>>
      %dma_start3A = tpu.memref_slice %arg4[%mul3A_2] : memref<16384xf32, #tpu.memory_space<hbm>> -> memref<512xf32, #tpu.memory_space<hbm>>
      %dma_start3A_23 = tpu.memref_slice %arg4[%mul3A_2] : memref<16384xf32, #tpu.memory_space<hbm>> -> memref<512xf32, #tpu.memory_space<hbm>>
      tpu.enqueue_dma source(%arg8 : memref<512xf32, #tpu.memory_space<vmem>>) target(%dma_start3A_23 : memref<512xf32, #tpu.memory_space<hbm>>) target_semaphore(%run_scoped3A : memref<!tpu.dma_semaphore, #tpu.memory_space<semaphore_mem>>)
      %dma_wait3A = tpu.memref_slice %arg4[%mul3A_2] : memref<16384xf32, #tpu.memory_space<hbm>> -> memref<512xf32, #tpu.memory_space<hbm>>
      %dma_wait3A_24 = tpu.memref_slice %arg4[%mul3A_2] : memref<16384xf32, #tpu.memory_space<hbm>> -> memref<512xf32, #tpu.memory_space<hbm>>
      tpu.wait_dma2 semaphore(%run_scoped3A : memref<!tpu.dma_semaphore, #tpu.memory_space<semaphore_mem>>) src(%arg8 : memref<512xf32, #tpu.memory_space<vmem>>) dst(%dma_wait3A_24 : memref<512xf32, #tpu.memory_space<hbm>>)
      tpu.yield
    }) : () -> ()
    return
  }
}

#map = affine_map<(d0, d1) -> (0, 0)>
#map1 = affine_map<(d0, d1) -> (0)>
module attributes {stable_mosaic.version = 14 : i64} {
  func.func @_group_body(%arg0: i32, %arg1: i32, %arg2: memref<7x16384xi32, #tpu.memory_space<hbm>>, %arg3: memref<7000000xf32, #tpu.memory_space<hbm>>, %arg4: memref<16384xf32, #tpu.memory_space<hbm>>, %arg5: memref<7x512xi32, #tpu.memory_space<vmem>>, %arg6: memref<28x128xi32, #tpu.memory_space<vmem>>, %arg7: memref<3584xf32, #tpu.memory_space<vmem>>, %arg8: memref<512xf32, #tpu.memory_space<vmem>>, %arg9: memref<!tpu.dma_semaphore, #tpu.memory_space<semaphore_mem>>) attributes {dimension_semantics = [#tpu.dimension_semantics<core_parallel>, #tpu.dimension_semantics<subcore_parallel>], iteration_bounds = array<i64: 2, 16>, scalar_prefetch = 0 : i64, scratch_operands = 5 : i64, tpu.core_type = #tpu.core_type<sc_vector_subcore>, window_params = [{transform_indices = #map}, {transform_indices = #map1}, {transform_indices = #map1}]} {
    %mul3A = arith.constant 2 : i32
    %mul3A_0 = arith.muli %arg1, %mul3A : i32
    %add3A = arith.addi %mul3A_0, %arg0 : i32
    %mul3A_1 = arith.constant 512 : i32
    %mul3A_2 = arith.muli %add3A, %mul3A_1 : i32
    "tpu.region"() ({
      %run_scoped3A = tpu.sem_alloc : memref<!tpu.dma_semaphore, #tpu.memory_space<semaphore_mem>>
      %dma_start3A = arith.constant 0 : i32
      %dma_start3A_23 = tpu.memref_slice %arg2[%dma_start3A, %mul3A_2] : memref<7x16384xi32, #tpu.memory_space<hbm>> -> memref<7x512xi32, #tpu.memory_space<hbm>>
      %dma_start3A_24 = arith.constant 0 : i32
      %dma_start3A_25 = tpu.memref_slice %arg2[%dma_start3A_24, %mul3A_2] : memref<7x16384xi32, #tpu.memory_space<hbm>> -> memref<7x512xi32, #tpu.memory_space<hbm>>
      tpu.enqueue_dma source(%dma_start3A_25 : memref<7x512xi32, #tpu.memory_space<hbm>>) target(%arg5 : memref<7x512xi32, #tpu.memory_space<vmem>>) target_semaphore(%run_scoped3A : memref<!tpu.dma_semaphore, #tpu.memory_space<semaphore_mem>>)
      %dma_wait3A = arith.constant 0 : i32
      %dma_wait3A_26 = tpu.memref_slice %arg2[%dma_wait3A, %mul3A_2] : memref<7x16384xi32, #tpu.memory_space<hbm>> -> memref<7x512xi32, #tpu.memory_space<hbm>>
      %dma_wait3A_27 = arith.constant 0 : i32
      %dma_wait3A_28 = tpu.memref_slice %arg2[%dma_wait3A_27, %mul3A_2] : memref<7x16384xi32, #tpu.memory_space<hbm>> -> memref<7x512xi32, #tpu.memory_space<hbm>>
      tpu.wait_dma2 semaphore(%run_scoped3A : memref<!tpu.dma_semaphore, #tpu.memory_space<semaphore_mem>>) src(%dma_wait3A_28 : memref<7x512xi32, #tpu.memory_space<hbm>>) dst(%arg5 : memref<7x512xi32, #tpu.memory_space<vmem>>)
      tpu.yield
    }) : () -> ()
    %scan3A = arith.constant 0 : i32
    %scan3A_3 = arith.constant 0 : i32
    %scan3A_4 = arith.constant 28 : i32
    %scan3A_5 = arith.addi %scan3A_3, %scan3A_4 : i32
    %scan3A_6 = arith.constant 1 : i32
    %scan3A_7 = scf.for %scan3A_23 = %scan3A_3 to %scan3A_5 step %scan3A_6 iter_args(%scan3A_24 = %scan3A) -> (i32)  : i32 {
      %jit3A = arith.constant 4 : i32
      %div3A = arith.divsi %scan3A_23, %jit3A : i32
      %sign3A = arith.constant 0 : i32
      %sign3A_25 = arith.cmpi sgt, %scan3A_23, %sign3A : i32
      %sign3A_26 = arith.extui %sign3A_25 : i1 to i32
      %sign3A_27 = arith.constant 0 : i32
      %sign3A_28 = arith.cmpi slt, %scan3A_23, %sign3A_27 : i32
      %sign3A_29 = arith.extui %sign3A_28 : i1 to i32
      %sign3A_30 = arith.subi %sign3A_26, %sign3A_29 : i32
      %sign3A_31 = arith.constant 0 : i32
      %sign3A_32 = arith.cmpi sgt, %jit3A, %sign3A_31 : i32
      %sign3A_33 = arith.extui %sign3A_32 : i1 to i32
      %sign3A_34 = arith.constant 0 : i32
      %sign3A_35 = arith.cmpi slt, %jit3A, %sign3A_34 : i32
      %sign3A_36 = arith.extui %sign3A_35 : i1 to i32
      %sign3A_37 = arith.subi %sign3A_33, %sign3A_36 : i32
      %ne3A = arith.cmpi ne, %sign3A_30, %sign3A_37 : i32
      %rem3A = arith.remsi %scan3A_23, %jit3A : i32
      %ne3A_38 = arith.constant 0 : i32
      %ne3A_39 = arith.cmpi ne, %rem3A, %ne3A_38 : i32
      %and3A = arith.andi %ne3A, %ne3A_39 : i1
      %sub3A = arith.constant 1 : i32
      %sub3A_40 = arith.subi %div3A, %sub3A : i32
      %select_n3A = arith.select %and3A, %sub3A_40, %div3A : i32
      %mul3A_41 = arith.constant 4 : i32
      %mul3A_42 = arith.muli %select_n3A, %mul3A_41 : i32
      %sub3A_43 = arith.subi %scan3A_23, %mul3A_42 : i32
      %mul3A_44 = arith.constant 1000000 : i32
      %mul3A_45 = arith.muli %select_n3A, %mul3A_44 : i32
      %broadcast_in_dim3A = vector.broadcast %mul3A_45 : i32 to vector<16xi32>
      %mul3A_46 = arith.constant 128 : i32
      %mul3A_47 = arith.muli %sub3A_43, %mul3A_46 : i32
      %add3A_48 = arith.constant 0 : i32
      %add3A_49 = arith.addi %mul3A_47, %add3A_48 : i32
      %get3A = arith.index_cast %select_n3A : i32 to index
      %get3A_50 = arith.index_cast %add3A_49 : i32 to index
      %get3A_51 = tpu.vector_load %arg5[%get3A, %get3A_50] {strides = array<i32>} : memref<7x512xi32, #tpu.memory_space<vmem>>, vector<1x16xi32>,
      %get3A_52 = vector.shape_cast %get3A_51 : vector<1x16xi32> to vector<16xi32>
      %add3A_53 = arith.addi %get3A_52, %broadcast_in_dim3A : vector<16xi32>
      %swap3A = arith.index_cast %scan3A_23 : i32 to index
      %swap3A_54 = arith.constant 0 : index
      %swap3A_55 = tpu.vector_load %arg6[%swap3A, %swap3A_54] {strides = array<i32>} : memref<28x128xi32, #tpu.memory_space<vmem>>, vector<1x16xi32>,
      %swap3A_56 = vector.shape_cast %swap3A_55 : vector<1x16xi32> to vector<16xi32>
      %swap3A_57 = vector.shape_cast %add3A_53 : vector<16xi32> to vector<1x16xi32>
      tpu.vector_store %arg6[%swap3A, %swap3A_54], %swap3A_57 {strides = array<i32>} : memref<28x128xi32, #tpu.memory_space<vmem>>, vector<1x16xi32>,
      %mul3A_58 = arith.constant 128 : i32
      %mul3A_59 = arith.muli %sub3A_43, %mul3A_58 : i32
      %add3A_60 = arith.constant 16 : i32
      %add3A_61 = arith.addi %mul3A_59, %add3A_60 : i32
      %get3A_62 = arith.index_cast %select_n3A : i32 to index
      %get3A_63 = arith.index_cast %add3A_61 : i32 to index
      %get3A_64 = tpu.vector_load %arg5[%get3A_62, %get3A_63] {strides = array<i32>} : memref<7x512xi32, #tpu.memory_space<vmem>>, vector<1x16xi32>,
      %get3A_65 = vector.shape_cast %get3A_64 : vector<1x16xi32> to vector<16xi32>
      %add3A_66 = arith.addi %get3A_65, %broadcast_in_dim3A : vector<16xi32>
      %swap3A_67 = arith.index_cast %scan3A_23 : i32 to index
      %swap3A_68 = arith.constant 16 : index
      %swap3A_69 = tpu.vector_load %arg6[%swap3A_67, %swap3A_68] {strides = array<i32>} : memref<28x128xi32, #tpu.memory_space<vmem>>, vector<1x16xi32>,
      %swap3A_70 = vector.shape_cast %swap3A_69 : vector<1x16xi32> to vector<16xi32>
      %swap3A_71 = vector.shape_cast %add3A_66 : vector<16xi32> to vector<1x16xi32>
      tpu.vector_store %arg6[%swap3A_67, %swap3A_68], %swap3A_71 {strides = array<i32>} : memref<28x128xi32, #tpu.memory_space<vmem>>, vector<1x16xi32>,
      %mul3A_72 = arith.constant 128 : i32
      %mul3A_73 = arith.muli %sub3A_43, %mul3A_72 : i32
      %add3A_74 = arith.constant 32 : i32
      %add3A_75 = arith.addi %mul3A_73, %add3A_74 : i32
      %get3A_76 = arith.index_cast %select_n3A : i32 to index
      %get3A_77 = arith.index_cast %add3A_75 : i32 to index
      %get3A_78 = tpu.vector_load %arg5[%get3A_76, %get3A_77] {strides = array<i32>} : memref<7x512xi32, #tpu.memory_space<vmem>>, vector<1x16xi32>,
      %get3A_79 = vector.shape_cast %get3A_78 : vector<1x16xi32> to vector<16xi32>
      %add3A_80 = arith.addi %get3A_79, %broadcast_in_dim3A : vector<16xi32>
      %swap3A_81 = arith.index_cast %scan3A_23 : i32 to index
      %swap3A_82 = arith.constant 32 : index
      %swap3A_83 = tpu.vector_load %arg6[%swap3A_81, %swap3A_82] {strides = array<i32>} : memref<28x128xi32, #tpu.memory_space<vmem>>, vector<1x16xi32>,
      %swap3A_84 = vector.shape_cast %swap3A_83 : vector<1x16xi32> to vector<16xi32>
      %swap3A_85 = vector.shape_cast %add3A_80 : vector<16xi32> to vector<1x16xi32>
      tpu.vector_store %arg6[%swap3A_81, %swap3A_82], %swap3A_85 {strides = array<i32>} : memref<28x128xi32, #tpu.memory_space<vmem>>, vector<1x16xi32>,
      %mul3A_86 = arith.constant 128 : i32
      %mul3A_87 = arith.muli %sub3A_43, %mul3A_86 : i32
      %add3A_88 = arith.constant 48 : i32
      %add3A_89 = arith.addi %mul3A_87, %add3A_88 : i32
      %get3A_90 = arith.index_cast %select_n3A : i32 to index
      %get3A_91 = arith.index_cast %add3A_89 : i32 to index
      %get3A_92 = tpu.vector_load %arg5[%get3A_90, %get3A_91] {strides = array<i32>} : memref<7x512xi32, #tpu.memory_space<vmem>>, vector<1x16xi32>,
      %get3A_93 = vector.shape_cast %get3A_92 : vector<1x16xi32> to vector<16xi32>
      %add3A_94 = arith.addi %get3A_93, %broadcast_in_dim3A : vector<16xi32>
      %swap3A_95 = arith.index_cast %scan3A_23 : i32 to index
      %swap3A_96 = arith.constant 48 : index
      %swap3A_97 = tpu.vector_load %arg6[%swap3A_95, %swap3A_96] {strides = array<i32>} : memref<28x128xi32, #tpu.memory_space<vmem>>, vector<1x16xi32>,
      %swap3A_98 = vector.shape_cast %swap3A_97 : vector<1x16xi32> to vector<16xi32>
      %swap3A_99 = vector.shape_cast %add3A_94 : vector<16xi32> to vector<1x16xi32>
      tpu.vector_store %arg6[%swap3A_95, %swap3A_96], %swap3A_99 {strides = array<i32>} : memref<28x128xi32, #tpu.memory_space<vmem>>, vector<1x16xi32>,
      %mul3A_100 = arith.constant 128 : i32
      %mul3A_101 = arith.muli %sub3A_43, %mul3A_100 : i32
      %add3A_102 = arith.constant 64 : i32
      %add3A_103 = arith.addi %mul3A_101, %add3A_102 : i32
      %get3A_104 = arith.index_cast %select_n3A : i32 to index
      %get3A_105 = arith.index_cast %add3A_103 : i32 to index
      %get3A_106 = tpu.vector_load %arg5[%get3A_104, %get3A_105] {strides = array<i32>} : memref<7x512xi32, #tpu.memory_space<vmem>>, vector<1x16xi32>,
      %get3A_107 = vector.shape_cast %get3A_106 : vector<1x16xi32> to vector<16xi32>
      %add3A_108 = arith.addi %get3A_107, %broadcast_in_dim3A : vector<16xi32>
      %swap3A_109 = arith.index_cast %scan3A_23 : i32 to index
      %swap3A_110 = arith.constant 64 : index
      %swap3A_111 = tpu.vector_load %arg6[%swap3A_109, %swap3A_110] {strides = array<i32>} : memref<28x128xi32, #tpu.memory_space<vmem>>, vector<1x16xi32>,
      %swap3A_112 = vector.shape_cast %swap3A_111 : vector<1x16xi32> to vector<16xi32>
      %swap3A_113 = vector.shape_cast %add3A_108 : vector<16xi32> to vector<1x16xi32>
      tpu.vector_store %arg6[%swap3A_109, %swap3A_110], %swap3A_113 {strides = array<i32>} : memref<28x128xi32, #tpu.memory_space<vmem>>, vector<1x16xi32>,
      %mul3A_114 = arith.constant 128 : i32
      %mul3A_115 = arith.muli %sub3A_43, %mul3A_114 : i32
      %add3A_116 = arith.constant 80 : i32
      %add3A_117 = arith.addi %mul3A_115, %add3A_116 : i32
      %get3A_118 = arith.index_cast %select_n3A : i32 to index
      %get3A_119 = arith.index_cast %add3A_117 : i32 to index
      %get3A_120 = tpu.vector_load %arg5[%get3A_118, %get3A_119] {strides = array<i32>} : memref<7x512xi32, #tpu.memory_space<vmem>>, vector<1x16xi32>,
      %get3A_121 = vector.shape_cast %get3A_120 : vector<1x16xi32> to vector<16xi32>
      %add3A_122 = arith.addi %get3A_121, %broadcast_in_dim3A : vector<16xi32>
      %swap3A_123 = arith.index_cast %scan3A_23 : i32 to index
      %swap3A_124 = arith.constant 80 : index
      %swap3A_125 = tpu.vector_load %arg6[%swap3A_123, %swap3A_124] {strides = array<i32>} : memref<28x128xi32, #tpu.memory_space<vmem>>, vector<1x16xi32>,
      %swap3A_126 = vector.shape_cast %swap3A_125 : vector<1x16xi32> to vector<16xi32>
      %swap3A_127 = vector.shape_cast %add3A_122 : vector<16xi32> to vector<1x16xi32>
      tpu.vector_store %arg6[%swap3A_123, %swap3A_124], %swap3A_127 {strides = array<i32>} : memref<28x128xi32, #tpu.memory_space<vmem>>, vector<1x16xi32>,
      %mul3A_128 = arith.constant 128 : i32
      %mul3A_129 = arith.muli %sub3A_43, %mul3A_128 : i32
      %add3A_130 = arith.constant 96 : i32
      %add3A_131 = arith.addi %mul3A_129, %add3A_130 : i32
      %get3A_132 = arith.index_cast %select_n3A : i32 to index
      %get3A_133 = arith.index_cast %add3A_131 : i32 to index
      %get3A_134 = tpu.vector_load %arg5[%get3A_132, %get3A_133] {strides = array<i32>} : memref<7x512xi32, #tpu.memory_space<vmem>>, vector<1x16xi32>,
      %get3A_135 = vector.shape_cast %get3A_134 : vector<1x16xi32> to vector<16xi32>
      %add3A_136 = arith.addi %get3A_135, %broadcast_in_dim3A : vector<16xi32>
      %swap3A_137 = arith.index_cast %scan3A_23 : i32 to index
      %swap3A_138 = arith.constant 96 : index
      %swap3A_139 = tpu.vector_load %arg6[%swap3A_137, %swap3A_138] {strides = array<i32>} : memref<28x128xi32, #tpu.memory_space<vmem>>, vector<1x16xi32>,
      %swap3A_140 = vector.shape_cast %swap3A_139 : vector<1x16xi32> to vector<16xi32>
      %swap3A_141 = vector.shape_cast %add3A_136 : vector<16xi32> to vector<1x16xi32>
      tpu.vector_store %arg6[%swap3A_137, %swap3A_138], %swap3A_141 {strides = array<i32>} : memref<28x128xi32, #tpu.memory_space<vmem>>, vector<1x16xi32>,
      %mul3A_142 = arith.constant 128 : i32
      %mul3A_143 = arith.muli %sub3A_43, %mul3A_142 : i32
      %add3A_144 = arith.constant 112 : i32
      %add3A_145 = arith.addi %mul3A_143, %add3A_144 : i32
      %get3A_146 = arith.index_cast %select_n3A : i32 to index
      %get3A_147 = arith.index_cast %add3A_145 : i32 to index
      %get3A_148 = tpu.vector_load %arg5[%get3A_146, %get3A_147] {strides = array<i32>} : memref<7x512xi32, #tpu.memory_space<vmem>>, vector<1x16xi32>,
      %get3A_149 = vector.shape_cast %get3A_148 : vector<1x16xi32> to vector<16xi32>
      %add3A_150 = arith.addi %get3A_149, %broadcast_in_dim3A : vector<16xi32>
      %swap3A_151 = arith.index_cast %scan3A_23 : i32 to index
      %swap3A_152 = arith.constant 112 : index
      %swap3A_153 = tpu.vector_load %arg6[%swap3A_151, %swap3A_152] {strides = array<i32>} : memref<28x128xi32, #tpu.memory_space<vmem>>, vector<1x16xi32>,
      %swap3A_154 = vector.shape_cast %swap3A_153 : vector<1x16xi32> to vector<16xi32>
      %swap3A_155 = vector.shape_cast %add3A_150 : vector<16xi32> to vector<1x16xi32>
      tpu.vector_store %arg6[%swap3A_151, %swap3A_152], %swap3A_155 {strides = array<i32>} : memref<28x128xi32, #tpu.memory_space<vmem>>, vector<1x16xi32>,
      %mul3A_156 = arith.constant 128 : i32
      %mul3A_157 = arith.muli %scan3A_23, %mul3A_156 : i32
      %dma_start3A = tpu.memref_slice %arg7[%mul3A_157] : memref<3584xf32, #tpu.memory_space<vmem>> -> memref<128xf32, #tpu.memory_space<vmem>>
      %dma_start3A_158 = arith.constant 0 : i32
      %dma_start3A_159 = tpu.memref_slice %arg6[%scan3A_23, %dma_start3A_158] : memref<28x128xi32, #tpu.memory_space<vmem>> -> memref<1x128xi32, #tpu.memory_space<vmem>>
      %dma_start3A_160 = tpu.memref_squeeze %dma_start3A_159 : memref<1x128xi32, #tpu.memory_space<vmem>> -> memref<128xi32, #tpu.memory_space<vmem>>
      %dma_start3A_161 = arith.constant 0 : i32
      %dma_start3A_162 = tpu.memref_slice %arg3[%dma_start3A_161] : memref<7000000xf32, #tpu.memory_space<hbm>> -> memref<7000000xf32, #tpu.memory_space<hbm>>
      tpu.enqueue_indirect_dma source(%dma_start3A_162 : memref<7000000xf32, #tpu.memory_space<hbm>>) target(%dma_start3A : memref<128xf32, #tpu.memory_space<vmem>>) offsets(%dma_start3A_160 : memref<128xi32, #tpu.memory_space<vmem>>) semaphore(%arg9 : memref<!tpu.dma_semaphore, #tpu.memory_space<semaphore_mem>>)
      %scan3A_163 = arith.constant 0 : i32
      scf.yield %scan3A_163 : i32
    }
    %scan3A_8 = arith.constant 28 : i32
    %scan3A_9 = arith.constant 0 : i32
    %scan3A_10 = arith.constant 0 : i32
    %scan3A_11 = arith.constant 28 : i32
    %scan3A_12 = arith.addi %scan3A_10, %scan3A_11 : i32
    %scan3A_13 = arith.constant 1 : i32
    %scan3A_14 = scf.for %scan3A_23 = %scan3A_10 to %scan3A_12 step %scan3A_13 iter_args(%scan3A_24 = %scan3A_9) -> (i32)  : i32 {
      %dma_wait3A = arith.constant 0 : i32
      %dma_wait3A_25 = arith.constant 0 : i32
      %dma_wait3A_26 = tpu.memref_slice %arg7[%dma_wait3A_25] : memref<3584xf32, #tpu.memory_space<vmem>> -> memref<128xf32, #tpu.memory_space<vmem>>
      %dma_wait3A_27 = arith.constant 0 : i32
      %dma_wait3A_28 = tpu.memref_slice %arg6[%dma_wait3A, %dma_wait3A_27] : memref<28x128xi32, #tpu.memory_space<vmem>> -> memref<1x128xi32, #tpu.memory_space<vmem>>
      %dma_wait3A_29 = tpu.memref_squeeze %dma_wait3A_28 : memref<1x128xi32, #tpu.memory_space<vmem>> -> memref<128xi32, #tpu.memory_space<vmem>>
      %dma_wait3A_30 = arith.constant 0 : i32
      %dma_wait3A_31 = tpu.memref_slice %arg3[%dma_wait3A_30] : memref<7000000xf32, #tpu.memory_space<hbm>> -> memref<7000000xf32, #tpu.memory_space<hbm>>
      tpu.wait_indirect_dma semaphore(%arg9 : memref<!tpu.dma_semaphore, #tpu.memory_space<semaphore_mem>>) src(%dma_wait3A_31 : memref<7000000xf32, #tpu.memory_space<hbm>>) dst(%dma_wait3A_26 : memref<128xf32, #tpu.memory_space<vmem>>)
      %scan3A_32 = arith.constant 0 : i32
      scf.yield %scan3A_32 : i32
    }
    %scan3A_15 = arith.constant 28 : i32
    %scan3A_16 = arith.constant 0 : i32
    %scan3A_17 = arith.constant 0 : i32
    %scan3A_18 = arith.constant 32 : i32
    %scan3A_19 = arith.addi %scan3A_17, %scan3A_18 : i32
    %scan3A_20 = arith.constant 1 : i32
    %scan3A_21 = scf.for %scan3A_23 = %scan3A_17 to %scan3A_19 step %scan3A_20 iter_args(%scan3A_24 = %scan3A_16) -> (i32)  : i32 {
      %broadcast_in_dim3A = arith.constant 0.000000e+00 : f32
      %broadcast_in_dim3A_25 = vector.broadcast %broadcast_in_dim3A : f32 to vector<16xf32>
      %scan3A_26 = arith.constant 0 : i32
      %scan3A_27 = arith.constant 7 : i32
      %scan3A_28 = arith.addi %scan3A_26, %scan3A_27 : i32
      %scan3A_29 = arith.constant 1 : i32
      %scan3A_30 = scf.for %scan3A_38 = %scan3A_26 to %scan3A_28 step %scan3A_29 iter_args(%scan3A_39 = %broadcast_in_dim3A_25) -> (vector<16xf32>)  : i32 {
        %mul3A_40 = arith.constant 512 : i32
        %mul3A_41 = arith.muli %scan3A_38, %mul3A_40 : i32
        %mul3A_42 = arith.constant 16 : i32
        %mul3A_43 = arith.muli %scan3A_23, %mul3A_42 : i32
        %add3A_44 = arith.addi %mul3A_41, %mul3A_43 : i32
        %get3A = arith.index_cast %add3A_44 : i32 to index
        %get3A_45 = tpu.vector_load %arg7[%get3A] {strides = array<i32>} : memref<3584xf32, #tpu.memory_space<vmem>>, vector<16xf32>,
        %get3A_46 = vector.shape_cast %get3A_45 : vector<16xf32> to vector<16xf32>
        %add3A_47 = arith.addf %scan3A_39, %get3A_46 : vector<16xf32>
        scf.yield %add3A_47 : vector<16xf32>
      }
      %scan3A_31 = arith.constant 7 : i32
      %mul3A_32 = arith.constant 16 : i32
      %mul3A_33 = arith.muli %scan3A_23, %mul3A_32 : i32
      %swap3A = arith.index_cast %mul3A_33 : i32 to index
      %swap3A_34 = tpu.vector_load %arg8[%swap3A] {strides = array<i32>} : memref<512xf32, #tpu.memory_space<vmem>>, vector<16xf32>,
      %swap3A_35 = vector.shape_cast %swap3A_34 : vector<16xf32> to vector<16xf32>
      %swap3A_36 = vector.shape_cast %scan3A_30 : vector<16xf32> to vector<16xf32>
      tpu.vector_store %arg8[%swap3A], %swap3A_36 {strides = array<i32>} : memref<512xf32, #tpu.memory_space<vmem>>, vector<16xf32>,
      %scan3A_37 = arith.constant 0 : i32
      scf.yield %scan3A_37 : i32
    }
    %scan3A_22 = arith.constant 32 : i32
    "tpu.region"() ({
      %run_scoped3A = tpu.sem_alloc : memref<!tpu.dma_semaphore, #tpu.memory_space<semaphore_mem>>
      %dma_start3A = tpu.memref_slice %arg4[%mul3A_2] : memref<16384xf32, #tpu.memory_space<hbm>> -> memref<512xf32, #tpu.memory_space<hbm>>
      %dma_start3A_23 = tpu.memref_slice %arg4[%mul3A_2] : memref<16384xf32, #tpu.memory_space<hbm>> -> memref<512xf32, #tpu.memory_space<hbm>>
      tpu.enqueue_dma source(%arg8 : memref<512xf32, #tpu.memory_space<vmem>>) target(%dma_start3A_23 : memref<512xf32, #tpu.memory_space<hbm>>) target_semaphore(%run_scoped3A : memref<!tpu.dma_semaphore, #tpu.memory_space<semaphore_mem>>)
      %dma_wait3A = tpu.memref_slice %arg4[%mul3A_2] : memref<16384xf32, #tpu.memory_space<hbm>> -> memref<512xf32, #tpu.memory_space<hbm>>
      %dma_wait3A_24 = tpu.memref_slice %arg4[%mul3A_2] : memref<16384xf32, #tpu.memory_space<hbm>> -> memref<512xf32, #tpu.memory_space<hbm>>
      tpu.wait_dma2 semaphore(%run_scoped3A : memref<!tpu.dma_semaphore, #tpu.memory_space<semaphore_mem>>) src(%arg8 : memref<512xf32, #tpu.memory_space<vmem>>) dst(%dma_wait3A_24 : memref<512xf32, #tpu.memory_space<hbm>>)
      tpu.yield
    }) : () -> ()
    return
  }
}

module attributes {stable_mosaic.version = 14 : i64} {
  func.func @body(%arg0: memref<1xf32, #tpu.memory_space<vmem>>, %arg1: memref<16384xf32, #tpu.memory_space<vmem>>, %arg2: memref<16384xf32, #tpu.memory_space<vmem>>, %arg3: memref<16384xf32, #tpu.memory_space<vmem>>, %arg4: memref<16384xf32, #tpu.memory_space<vmem>>, %arg5: memref<16384xf32, #tpu.memory_space<vmem>>) attributes {dimension_semantics = [], scalar_prefetch = 0 : i64, scratch_operands = 0 : i64, tpu.core_type = #tpu.core_type<tc>} {
    %get3A = arith.constant 0 : index
    %get3A_0 = vector.load %arg1[%get3A] : memref<16384xf32, #tpu.memory_space<vmem>>, vector<16384xf32>
    %get3A_1 = arith.constant 0 : index
    %get3A_2 = vector.load %arg0[%get3A_1] : memref<1xf32, #tpu.memory_space<vmem>>, vector<1xf32>
    %get3A_3 = vector.extract %get3A_2[0] : f32 from vector<1xf32>
    %add3A = vector.broadcast %get3A_3 : f32 to vector<16384xf32>
    %add3A_4 = arith.addf %get3A_0, %add3A : vector<16384xf32>
    %get3A_5 = arith.constant 0 : index
    %get3A_6 = vector.load %arg2[%get3A_5] : memref<16384xf32, #tpu.memory_space<vmem>>, vector<16384xf32>
    %add3A_7 = arith.addf %add3A_4, %get3A_6 : vector<16384xf32>
    %get3A_8 = arith.constant 0 : index
    %get3A_9 = vector.load %arg3[%get3A_8] : memref<16384xf32, #tpu.memory_space<vmem>>, vector<16384xf32>
    %add3A_10 = arith.addf %add3A_7, %get3A_9 : vector<16384xf32>
    %get3A_11 = arith.constant 0 : index
    %get3A_12 = vector.load %arg4[%get3A_11] : memref<16384xf32, #tpu.memory_space<vmem>>, vector<16384xf32>
    %add3A_13 = arith.addf %add3A_10, %get3A_12 : vector<16384xf32>
    %neg3A = arith.constant 0.000000e+00 : f32
    %neg3A_14 = vector.broadcast %neg3A : f32 to vector<16384xf32>
    %neg3A_15 = arith.subf %neg3A_14, %add3A_13 : vector<16384xf32>
    %exp3A = math.exp %neg3A_15 : vector<16384xf32>
    %add3A_16 = arith.constant 1.000000e+00 : f32
    %add3A_17 = vector.broadcast %add3A_16 : f32 to vector<16384xf32>
    %add3A_18 = arith.addf %add3A_17, %exp3A : vector<16384xf32>
    %div3A = arith.constant 1.000000e+00 : f32
    %div3A_19 = vector.broadcast %div3A : f32 to vector<16384xf32>
    %div3A_20 = arith.divf %div3A_19, %add3A_18 : vector<16384xf32>
    %swap3A = arith.constant 0 : index
    %swap3A_21 = vector.load %arg5[%swap3A] : memref<16384xf32, #tpu.memory_space<vmem>>, vector<16384xf32>
    tpu.vector_store %arg5[%swap3A], %div3A_20 {strides = array<i32>} : memref<16384xf32, #tpu.memory_space<vmem>>, vector<16384xf32>,
    return
  }
}

</mosaic_0001>

<sc_bundles>
// kernel: kernel.10.cloned.1.call-start
scs
__scs_entry_jumppad:
0x0: {  	(pc) =	sbr.rel $0x88, $3  }
0x1: {  	(tag) =	ssettag $0x0;
	lr =	simm.s32 $0x1  }
0x2: {  	[smem:$0x3F9E] =	sst lr;
	_ =	strace $0xD0000000  }
0x3: {  	_ = 	snop  }
0x4: {  	_ = 	snop  }
0x5: {  	_ = 	snop  }
0x6: {  	_ = 	snop  }
0x7: {  	_ = 	snop  }
__scs_overlays_trampoline_lowered:
0x8: {  	[smem:$0x3FAD] =	sst s0  }
0x9: {  	[smem:$0x3FAE] =	sst s1  }
0xa: {  	[smem:$0x3FAF] =	sst s2  }
0xb: {  	[smem:$0x3FB0] =	sst s3  }
0xc: {  	[smem:$0x3FB1] =	sst s4  }
0xd: {  	[smem:$0x3FB2] =	sst s5  }
0xe: {  	[smem:$0x3FB3] =	sst s6  }
0xf: {  	[smem:$0x3FB4] =	sst s7  }
0x10: {  	[smem:$0x3FB5] =	sst s8  }
0x11: {  	[smem:$0x3FB6] =	sst s9;
	s0 =	simm.s32 @!p0 $0x0  }
0x12: {  	s1 =	sld [smem:$0x3F9C];
	s0 =	simm.s32 @p0 $0x1  }
0x13: {  	[smem:$0x3FB7] =	sst s0;
	s0 =	simm.s32 @!p1 $0x0  }
0x14: {  	s2 =	sld [smem:$0x3F9B];
	s0 =	simm.s32 @p1 $0x1  }
0x15: {  	[smem:$0x3FB8] =	sst s0;
	s0 =	simm.s32 @!p2 $0x0  }
0x16: {  	s3 =	sld [smem:$0x3FDB];
	s0 =	simm.s32 @p2 $0x1  }
0x17: {  	s4 =	simm.s32 $0x1BF5;
	[smem:$0x3FBA] =	sst s0  }
0x18: {  	s0 =	sld [smem:$0x3F9D];
	_ =	swait.ge [sflag:s4], $0x0  }
0x19: {  	s7 =	sld [smem:$0x3F9E]  }
0x1a: {  	s8 =	sadd.s32 $0xFFFFE003, lr  }
0x1b: {  	s9 =	sadd.s32 $0xFFFFFEF7, lr;
	s5 =	simm.s32 $0xFFFFFFFF;
	p2 =	slt.u32 s8, $0xFFFFF086  }
0x1c: {  	p1 =	slt.u32 s9, $0xF7A;
	s5 =	simm.s32 @!p2 $0x0  }
0x1d: {  	s5 =	simm.s32 @p1 $0x1;
	p0 =	seq.s32 s7, s2  }
0x1e: {  	s7 =	smul.u32 @!p0 $0xF7A, s2;
	p2 =	seq.s32 @!p0 s5, $0x0  }
0x1f: {  	s9 =	smul.u32 $0xF7A, s1;
	s8 =	simm.s32 @!p0 $0x1BF5;
	p2 =	por !p2, p0  }
0x20: {  	[sflag:s8] =	ssyncset.s32 @!p0 $0xFFFFF086;
	s6 =	sadd.s32 @!p0 s3, s7;
	s7 =	simm.s32 @!p0 $0x108  }
0x21: {  	s3 =	sadd.s32 s3, s9;
	s6 =	sadd.s32 @!p0 $0x88, s6;
	s7 =	simm.s32 @p2 $0x1082  }
0x22: {  	[simem:s7], [sflag:s8] =	dma.local @!p0 [hbm:s6], $0xF7A  }
0x23: {  	s9 =	sor.u32 $0xD0000000, s2;
	s6 =	simm.s32 $0x108;
	_ =	swait.ge @!p0 [sflag:s8], $0x0  }
0x24: {  	s3 =	sadd.s32 $0x88, s3;
	s6 =	simm.s32 @!p1 $0x1082;
	[sflag:s4] =	ssyncset.s32 $0xFFFFF086  }
0x25: {  	[simem:s6], [sflag:s4] =	dma.local [hbm:s3], $0xF7A  }
0x26: {  	[smem:$0x3F9E] =	sst s1;
	(tag) =	ssettag s2;
	_ =	strace s9  }
0x27: {  	s1 =	sld [smem:$0x3FAE]  }
0x28: {  	s2 =	sld [smem:$0x3FAF]  }
0x29: {  	s4 =	sld [smem:$0x3FB1]  }
0x2a: {  	p0 =	seq.s32 s5, $0x0;
	s5 =	sld [smem:$0x3FB2]  }
0x2b: {  	s6 =	sld [smem:$0x3FB3]  }
0x2c: {  	s7 =	sld [smem:$0x3FB4]  }
0x2d: {  	s3 =	simm.s32 $0x108;
	s8 =	sld [smem:$0x3FB5]  }
0x2e: {  	s3 =	simm.s32 @!p0 $0x1082;
	s9 =	sld [smem:$0x3FB6]  }
0x2f: {  	lr =	sadd.s32 s0, s3;
	s0 =	sld [smem:$0x3FAD]  }
0x30: {  	s3 =	sld [smem:$0x3FB0]  }
0x31: {  	[smem:$0x3FB9] =	sst s10  }
0x32: {  	s10 =	sld [smem:$0x3FB7];
	_ =	sdelay $0x3  }
0x33: {  	p0 =	seq.s32 s10, $0x1;
	s10 =	sld [smem:$0x3FB9];
	_ =	sdelay $0x3  }
0x34: {  	[smem:$0x3FB9] =	sst s10  }
0x35: {  	s10 =	sld [smem:$0x3FB8];
	_ =	sdelay $0x3  }
0x36: {  	p1 =	seq.s32 s10, $0x1;
	s10 =	sld [smem:$0x3FB9];
	_ =	sdelay $0x3  }
0x37: {  	[smem:$0x3FB9] =	sst s10  }
0x38: {  	s10 =	sld [smem:$0x3FBA]  }
0x39: {  	_ = 	snop;
	(pc) =	sbr.ind lr, $3  }
0x3a: {  	_ = 	snop  }
0x3b: {  	_ = 	snop  }
0x3c: {  	p2 =	seq.s32 s10, $0x1;
	s10 =	sld [smem:$0x3FB9]  }
0x3d: {  	_ =	shalt  }
0x3e: {  	_ =	shalt  }
0x3f: {  	_ =	shalt  }
0x40: {  	_ =	shalt  }
0x41: {  	_ =	shalt  }
0x42: {  	_ =	shalt  }
0x43: {  	_ =	shalt  }
0x44: {  	_ =	shalt  }
0x45: {  	_ =	shalt  }
0x46: {  	_ =	shalt  }
0x47: {  	_ =	shalt  }
0x48: {  	_ =	shalt  }
0x49: {  	_ =	shalt  }
0x4a: {  	_ =	shalt  }
0x4b: {  	_ =	shalt  }
0x4c: {  	_ =	shalt  }
0x4d: {  	_ =	shalt  }
0x4e: {  	_ =	shalt  }
0x4f: {  	_ =	shalt  }
0x50: {  	_ =	shalt  }
0x51: {  	_ =	shalt  }
0x52: {  	_ =	shalt  }
0x53: {  	_ =	shalt  }
0x54: {  	_ =	shalt  }
0x55: {  	_ =	shalt  }
0x56: {  	_ =	shalt  }
0x57: {  	_ =	shalt  }
0x58: {  	_ =	shalt  }
0x59: {  	_ =	shalt  }
0x5a: {  	_ =	shalt  }
0x5b: {  	_ =	shalt  }
0x5c: {  	_ =	shalt  }
0x5d: {  	_ =	shalt  }
0x5e: {  	_ =	shalt  }
0x5f: {  	_ =	shalt  }
0x60: {  	_ =	shalt  }
0x61: {  	_ =	shalt  }
0x62: {  	_ =	shalt  }
0x63: {  	_ =	shalt  }
0x64: {  	_ =	shalt  }
0x65: {  	_ =	shalt  }
0x66: {  	_ =	shalt  }
0x67: {  	_ =	shalt  }
0x68: {  	_ =	shalt  }
0x69: {  	_ =	shalt  }
0x6a: {  	_ =	shalt  }
0x6b: {  	_ =	shalt  }
0x6c: {  	_ =	shalt  }
0x6d: {  	_ =	shalt  }
0x6e: {  	_ =	shalt  }
0x6f: {  	_ =	shalt  }
0x70: {  	_ =	shalt  }
0x71: {  	_ =	shalt  }
0x72: {  	_ =	shalt  }
0x73: {  	_ =	shalt  }
0x74: {  	_ =	shalt  }
0x75: {  	_ =	shalt  }
0x76: {  	_ =	shalt  }
0x77: {  	_ =	shalt  }
0x78: {  	_ =	shalt  }
0x79: {  	_ =	shalt  }
0x7a: {  	_ =	shalt  }
0x7b: {  	_ =	shalt  }
0x7c: {  	_ =	shalt  }
0x7d: {  	_ =	shalt  }
0x7e: {  	_ =	shalt  }
0x7f: {  	_ =	shalt  }
0x80: {  	_ =	shalt  }
0x81: {  	_ =	shalt  }
0x82: {  	_ =	shalt  }
0x83: {  	_ =	shalt  }
0x84: {  	_ =	shalt  }
0x85: {  	_ =	shalt  }
0x86: {  	_ =	shalt  }
0x87: {  	_ =	shalt  }
.Lfunc_end0:
.L_simem_size_0:
called_computation.1_lowered:
.L_overlay_start_0:
0x88: {  	s2 =	sld [smem:$0x3FD9]  }
0x89: {  	s3 =	sld [smem:$0x3FFE];
	_ =	sdelay $0x1  }
0x8a: {  	s1 =	srdreg.scid  }
0x8b: {  	s0 =	sand.u32 $0x1, s1  }
0x8c: {  	s16 =	sshll.u32 s0, $0xA;
	s2 =	sadd.s32 s3, s2  }
0x8d: {  	s2 =	sadd.s32 s2, s16  }
0x8e: {  	[smem:$0x3FC5] =	sst s2  }
0x8f: {  	_ = 	snop  }
0x90: {  	(tm) =	ssettm $0x1  }
0x91: {  	s17 =	sld [smem:$0x3FFB];
	_ =	sdelay $0x3  }
0x92: {  	_ =	strace s17  }
0x93: {  	s2 =	sld [smem:$0x3FFC];
	_ =	sdelay $0x3  }
0x94: {  	_ =	strace s2  }
0x95: {  	s2 =	sld [smem:$0x3FFD];
	_ =	sdelay $0x3  }
0x96: {  	_ =	strace s2  }
0x97: {  	_ =	strace $0x8FFFFFFF  }
0x98: {  	s18 =	sld [smem:$0x3FDB];
	_ =	sdelay $0x1  }
0x99: {  	s19 =	simm.s32 $_scs_section_size  }
0x9a: {  	s4 =	simm.s32 $_size__tile_overlayer_lowered;
	s5 =	simm.s32 $_tile_overlayer_lowered  }
0x9b: {  	s22 =	simm.s32 $0x1BFF;
	s21 =	sshll.u32 s5, $0x1;
	s2 =	sadd.s32 s19, s18  }
0x9c: {  	s6 =	simm.s32 $0x0;
	s20 =	sshll.u32 s4, $0x1;
	s4 =	sadd.s32 s21, s2  }
0x9d: {  	[timem:s6], [sflag:s22] =	dma.local [hbm:s4], s20  }
0x9e: {  	_ =	swait.ge [sflag:s22], s20  }
0x9f: {  	s3 =	ssub.s32 $0x0, s20;
	[sflag:s22] =	ssyncset.done $0x0  }
0xa0: {  	[sflag:s22] =	ssyncadd.s32 s3;
	_ =	sdelay $0x1  }
0xa1: {  	s23 =	simm.s32 $0x1B8B  }
0xa2: {  	_ =	swait.ge [sflag:s23], $0x1  }
0xa3: {  	[sflag:s23] =	ssyncset.done $0x0  }
0xa4: {  	s25 =	simm.s32 $0x1B8E;
	s24 =	sld [smem:$0x3FFE];
	[sflag:s23] =	ssyncadd.s32 $0xFFFFFFFF  }
0xa5: {  	s26 =	simm.s32 $execute0_lowered;
	[smem:$0x3FD2] =	sst s25  }
0xa6: {  	s4 =	sshll.u32 s26, $0x1;
	_ =	strace $0x80000046;
	[dreg:$0x1] =	wrdreg $0xFFFFFFFF  }
0xa7: {  	s28 =	simm.s32 $_size_execute0_lowered;
	s2 =	sadd.s32 s2, s4;
	[dreg:$0x0] =	wrdreg $0x0  }
0xa8: {  	s4 =	sshll.u32 s28, $0x1;
	[dreg:$0x2] =	wrdreg s2  }
0xa9: {  	[dreg:$0x3] =	wrdreg s4  }
0xaa: {  	[dreg:$0x4] =	wrdreg $0xC0  }
0xab: {  	_ =	task [dreg:s6], $0x5FFFF  }
0xac: {  	[dreg:$0x1] =	wrdreg $0xFFFFFFFF  }
0xad: {  	[dreg:$0x0] =	wrdreg $0x60  }
0xae: {  	[dreg:$0x2] =	wrdreg s24  }
0xaf: {  	[dreg:$0x3] =	wrdreg $0xA  }
0xb0: {  	_ =	task.clear_ibuf [dreg:s6], $0x4FFFF;
	_ =	strace $0x90000046  }
0xb1: {  	s29 =	simm.s32 $0xA;
	_ =	strace $0x80000048  }
0xb2: {  	_ =	swait.ge [sflag:s29], $0x1  }
0xb3: {  	[sflag:s29] =	ssyncadd.s32 $0xFFFFFFFF  }
0xb4: {  	_ =	strace $0x90000048  }
0xb5: {  	_ =	sfence  }
0xb6: {  	s30 =	sld [smem:$0x0];
	_ =	sdelay $0x2  }
0xb7: {  	s31 =	sshll.u32 s1, $0xD;
	s1 =	sshrl.u32 s1, $0x2  }
0xb8: {  	s3 =	sand.u32 $0x4000, s31;
	s1 =	sadd.s32 s1, s30  }
0xb9: {  	s0 =	sor.u32 s3, s0;
	s1 =	sshll.u32 s1, $0x11  }
0xba: {  	s0 =	sor.u32 s1, s0  }
0xbb: {  	s0 =	sadd.s32 $0x8F2B, s0  }
0xbc: {  	[sflag:s0] =	ssyncadd.remote.s32 $0x1  }
0xbd: {  	_ =	sfence.sel $0xFFFF  }
0xbe: {  	[dreg:$0x0] =	wrdreg $0xFFFFFFFF;
	(pc) =	sbr.abs _section_cstart, $3  }
0xbf: {  	[dreg:$0x1] =	wrdreg $0xFFFFFFFF  }
0xc0: {  	_ =	task.clear_ibuf [dreg:s6], $0x2FFFF;
	_ =	strace $0x9FFFFFFF  }
0xc1: {  	(tm) =	ssettm $0x7FFFFFFF  }
tec
execute0_lowered:
.L_overlay_start_1:
0x0: {  	(tag) =	ssettag $0x1  }
0x1: {  	s4 =	rddreg [dreg:$0x0]  }
0x2: {  	s0 =	rddreg [dreg:$0x1]  }
0x3: {  	s3 =	srdreg.scid;
	s2 =	simm.s32 $0x0;
	s1 =	stileid.u32  }
0x4: {  	s8 =	simm.s32 $0x80;
	s9 =	simm.s32 $0x1;
	s10 =	simm.s32 $0x2E00  }
0x5: {  	s11 =	simm.s32 $0x0;
	s3 =	sand.u32 $0x1, s3;
	[smem:$0x7FF] =	sst s2  }
0x6: {  	s5 =	sshll.u32 s1, $0xA;
	s6 =	sshll.u32 s3, $0x9;
	_ =	strace $0x80000047  }
0x7: {  	s7 =	ssub.s32 $0x2, s3;
	s3 =	sadd.s32 $0x9600, s4;
	s5 =	sor.u32 s6, s5  }
0x8: {  	s31 =	sshrl.u32 s7, $0x1;
	s6 =	sadd.s32 s5, s4;
	s5 =	sshrl.u32 s5, $0x3  }
0x9: {  	s7 =	ssub.s32 s7, s31;
	s5 =	sadd.s32 s5, s4;
	s4 =	sadd.s32 $0x1600, s6  }
0xa: {  	s6 =	smax.u32 s7, $0x1;
	s7 =	simm.s32 $0x2;
	s5 =	sadd.s32 $0x1B4A00, s5  }
.LBB2_1:
0xb: {  	[tilespmem:s2], [sflag:$0x2] =	stream.linear.gather [hbm4b:s4+s2], $0x1000, $0x38;
	[tilespmem:$0x3000] =	vst v63  }
0xc: {  	s12 =	simm.s32 $0x0  }
0xd: {  	s13 =	smul.u32 $0xFFFFC200, s12  }
0xe: {  	_ =	swait.ge [sflag:s7], $0x1000  }
0xf: {  	[sflag:s7] =	ssyncset.done $0x0;
	s13 =	sshra.s32 s13, $0x2  }
0x10: {  	[sflag:s7] =	ssyncadd.s32 $0xFFFFF000;
	s13 =	sadd.s32 $0x0, s13  }
0x11: {  	v0 =	vld [tilespmem:s13+$0x0];
	_ =	sdelay $0x2  }
0x12: {  	s16 =	smul.u32 $0xF4240, s12;
	_ =	sdelay $0x1  }
0x13: {  	s14 =	simm.s32 $0x1000;
	v0 =	vadd.s32 s16, v0  }
0x14: {  	[tilespmem:s14+$0x0] =	vst v0  }
0x15: {  	v0 =	vld [tilespmem:s13+$0x10];
	_ =	sdelay $0x4  }
0x16: {  	v0 =	vadd.s32 s16, v0  }
0x17: {  	[tilespmem:s14+$0x10] =	vst v0  }
0x18: {  	v0 =	vld [tilespmem:s13+$0x20];
	_ =	sdelay $0x4  }
0x19: {  	v0 =	vadd.s32 s16, v0  }
0x1a: {  	[tilespmem:s14+$0x20] =	vst v0  }
0x1b: {  	v0 =	vld [tilespmem:s13+$0x30];
	_ =	sdelay $0x4  }
0x1c: {  	v0 =	vadd.s32 s16, v0  }
0x1d: {  	[tilespmem:s14+$0x30] =	vst v0  }
0x1e: {  	v0 =	vld [tilespmem:s13+$0x40];
	_ =	sdelay $0x4  }
0x1f: {  	v0 =	vadd.s32 s16, v0  }
0x20: {  	[tilespmem:s14+$0x40] =	vst v0  }
0x21: {  	v0 =	vld [tilespmem:s13+$0x50];
	_ =	sdelay $0x4  }
0x22: {  	v0 =	vadd.s32 s16, v0  }
0x23: {  	[tilespmem:s14+$0x50] =	vst v0  }
0x24: {  	v0 =	vld [tilespmem:s13+$0x60];
	_ =	sdelay $0x4  }
0x25: {  	v0 =	vadd.s32 s16, v0  }
0x26: {  	[tilespmem:s14+$0x60] =	vst v0  }
0x27: {  	v0 =	vld [tilespmem:s13+$0x70];
	_ =	sdelay $0x1  }
0x28: {  	s21 =	simm.s32 $0x0  }
0x29: {  	s20 =	simm.s32 $0x2000;
	s31 =	smul.u32 $0xFFFFC200, s21  }
0x2a: {  	s15 =	simm.s32 $0x1;
	s18 =	simm.s32 $0x400;
	s12 =	simm.s32 $0x2000  }
0x2b: {  	s19 =	sshra.s32 s31, $0x2;
	s13 =	simm.s32 $0x1080;
	v0 =	vadd.s32 s16, v0;
	s16 =	simm.s32 $0x2000  }
.LBB2_2:
0x2c: {  	s19 =	sadd.s32 s18, s19  }
0x2d: {  	[tilespmem:s14+$0x70] =	vst v0;
	s12 =	sadd.s32 $0x80, s12;
	s18 =	smov.u32 s20;
	s17 =	sadd.s32 $0x1000, s20  }
0x2e: {  	[tilespmem:s16], [sflag:$0x1] =	stream.indirect.gather [hbm4b:s3+s8], $0x1, s14, s8, $0xb8;
	[tilespmem:$0x3000] =	vst v63  }
0x2f: {  	p0 =	sne.s32 s20, $0x1B000;
	s16 =	smov.u32 s12;
	s14 =	smov.u32 s13;
	v0 =	vld [tilespmem:s19+$0x0]  }
0x30: {  	_ =	sdelay $0x1  }
0x31: {  	s20 =	smul.u32 $0xF4240, s21;
	_ =	sdelay $0x1  }
0x32: {  	v0 =	vadd.s32 s20, v0  }
0x33: {  	[tilespmem:s13+$0x0] =	vst v0  }
0x34: {  	v0 =	vld [tilespmem:s19+$0x10];
	_ =	sdelay $0x4  }
0x35: {  	v0 =	vadd.s32 s20, v0  }
0x36: {  	[tilespmem:s13+$0x10] =	vst v0  }
0x37: {  	v0 =	vld [tilespmem:s19+$0x20];
	_ =	sdelay $0x4  }
0x38: {  	v0 =	vadd.s32 s20, v0  }
0x39: {  	[tilespmem:s13+$0x20] =	vst v0  }
0x3a: {  	v0 =	vld [tilespmem:s19+$0x30];
	_ =	sdelay $0x4  }
0x3b: {  	v0 =	vadd.s32 s20, v0  }
0x3c: {  	[tilespmem:s13+$0x30] =	vst v0  }
0x3d: {  	v0 =	vld [tilespmem:s19+$0x40];
	_ =	sdelay $0x4  }
0x3e: {  	v0 =	vadd.s32 s20, v0  }
0x3f: {  	[tilespmem:s13+$0x40] =	vst v0  }
0x40: {  	v0 =	vld [tilespmem:s19+$0x50];
	_ =	sdelay $0x4  }
0x41: {  	v0 =	vadd.s32 s20, v0  }
0x42: {  	[tilespmem:s13+$0x50] =	vst v0  }
0x43: {  	v0 =	vld [tilespmem:s19+$0x60];
	_ =	sdelay $0x4  }
0x44: {  	v0 =	vadd.s32 s20, v0  }
0x45: {  	[tilespmem:s13+$0x60] =	vst v0  }
0x46: {  	v0 =	vld [tilespmem:s19+$0x70]  }
.Ltmp0:
0x47: {  	s15 =	sadd.s32 $0x1, s15;
	(pc) =	sbr.rel @p0 .LBB2_2-.Ltmp0, $4  }
0x48: {  	s21 =	sshrl.u32 s15, $0x2  }
0x49: {  	s19 =	smul.u32 $0xFFFFC200, s21  }
0x4a: {  	s18 =	sshra.s32 s18, $0x2  }
0x4b: {  	s13 =	sadd.s32 $0x80, s13;
	s19 =	sshra.s32 s19, $0x2;
	v0 =	vadd.s32 s20, v0;
	s20 =	smov.u32 s17  }
0x4c: {  	s15 =	sadd.s32 s18, s19;
	[tilespmem:s14+$0x70] =	vst v0  }
0x4d: {  	[tilespmem:s16], [sflag:$0x1] =	stream.indirect.gather [hbm4b:s3+s8], $0x1, s14, s8, $0xb8;
	[tilespmem:$0x3000] =	vst v63  }
0x4e: {  	v0 =	vld [tilespmem:s15+$0x0];
	_ =	sdelay $0x2  }
0x4f: {  	s29 =	smul.u32 $0xF4240, s21;
	_ =	sdelay $0x1  }
0x50: {  	v0 =	vadd.s32 s29, v0  }
0x51: {  	[tilespmem:s13+$0x0] =	vst v0  }
0x52: {  	v0 =	vld [tilespmem:s15+$0x10];
	_ =	sdelay $0x4  }
0x53: {  	v0 =	vadd.s32 s29, v0  }
0x54: {  	[tilespmem:s13+$0x10] =	vst v0  }
0x55: {  	v0 =	vld [tilespmem:s15+$0x20];
	_ =	sdelay $0x4  }
0x56: {  	v0 =	vadd.s32 s29, v0  }
0x57: {  	[tilespmem:s13+$0x20] =	vst v0  }
0x58: {  	v0 =	vld [tilespmem:s15+$0x30];
	_ =	sdelay $0x4  }
0x59: {  	v0 =	vadd.s32 s29, v0  }
0x5a: {  	[tilespmem:s13+$0x30] =	vst v0  }
0x5b: {  	v0 =	vld [tilespmem:s15+$0x40];
	_ =	sdelay $0x4  }
0x5c: {  	v0 =	vadd.s32 s29, v0  }
0x5d: {  	[tilespmem:s13+$0x40] =	vst v0  }
0x5e: {  	v0 =	vld [tilespmem:s15+$0x50];
	_ =	sdelay $0x4  }
0x5f: {  	v0 =	vadd.s32 s29, v0  }
0x60: {  	[tilespmem:s13+$0x50] =	vst v0  }
0x61: {  	v0 =	vld [tilespmem:s15+$0x60];
	_ =	sdelay $0x4  }
0x62: {  	v0 =	vadd.s32 s29, v0  }
0x63: {  	[tilespmem:s13+$0x60] =	vst v0  }
0x64: {  	v0 =	vld [tilespmem:s15+$0x70];
	_ =	sdelay $0x4  }
0x65: {  	v0 =	vadd.s32 s29, v0  }
0x66: {  	s12 =	sadd.s32 $0x80, s12;
	[tilespmem:s13+$0x70] =	vst v0  }
0x67: {  	[tilespmem:s12], [sflag:$0x1] =	stream.indirect.gather [hbm4b:s3+s8], $0x1, s13, s8, $0xb8;
	[tilespmem:$0x3000] =	vst v63  }
0x68: {  	_ =	swait.ge [sflag:s9], $0x80  }
0x69: {  	[sflag:s9] =	ssyncset.done $0x0  }
0x6a: {  	[sflag:s9] =	ssyncadd.s32 $0xFFFFFF80  }
0x6b: {  	_ =	swait.ge [sflag:s9], $0x80  }
0x6c: {  	[sflag:s9] =	ssyncset.done $0x0  }
0x6d: {  	[sflag:s9] =	ssyncadd.s32 $0xFFFFFF80  }
0x6e: {  	_ =	swait.ge [sflag:s9], $0x80  }
0x6f: {  	[sflag:s9] =	ssyncset.done $0x0  }
0x70: {  	[sflag:s9] =	ssyncadd.s32 $0xFFFFFF80  }
0x71: {  	_ =	swait.ge [sflag:s9], $0x80  }
0x72: {  	[sflag:s9] =	ssyncset.done $0x0  }
0x73: {  	[sflag:s9] =	ssyncadd.s32 $0xFFFFFF80  }
0x74: {  	_ =	swait.ge [sflag:s9], $0x80  }
0x75: {  	[sflag:s9] =	ssyncset.done $0x0  }
0x76: {  	[sflag:s9] =	ssyncadd.s32 $0xFFFFFF80  }
0x77: {  	_ =	swait.ge [sflag:s9], $0x80  }
0x78: {  	[sflag:s9] =	ssyncset.done $0x0  }
0x79: {  	[sflag:s9] =	ssyncadd.s32 $0xFFFFFF80  }
0x7a: {  	_ =	swait.ge [sflag:s9], $0x80  }
0x7b: {  	[sflag:s9] =	ssyncset.done $0x0  }
0x7c: {  	[sflag:s9] =	ssyncadd.s32 $0xFFFFFF80  }
0x7d: {  	_ =	swait.ge [sflag:s9], $0x80  }
0x7e: {  	[sflag:s9] =	ssyncset.done $0x0  }
0x7f: {  	[sflag:s9] =	ssyncadd.s32 $0xFFFFFF80  }
0x80: {  	_ =	swait.ge [sflag:s9], $0x80  }
0x81: {  	[sflag:s9] =	ssyncset.done $0x0  }
0x82: {  	[sflag:s9] =	ssyncadd.s32 $0xFFFFFF80  }
0x83: {  	_ =	swait.ge [sflag:s9], $0x80  }
0x84: {  	[sflag:s9] =	ssyncset.done $0x0  }
0x85: {  	[sflag:s9] =	ssyncadd.s32 $0xFFFFFF80  }
0x86: {  	_ =	swait.ge [sflag:s9], $0x80  }
0x87: {  	[sflag:s9] =	ssyncset.done $0x0  }
0x88: {  	[sflag:s9] =	ssyncadd.s32 $0xFFFFFF80  }
0x89: {  	_ =	swait.ge [sflag:s9], $0x80  }
0x8a: {  	[sflag:s9] =	ssyncset.done $0x0  }
0x8b: {  	[sflag:s9] =	ssyncadd.s32 $0xFFFFFF80  }
0x8c: {  	_ =	swait.ge [sflag:s9], $0x80  }
0x8d: {  	[sflag:s9] =	ssyncset.done $0x0  }
0x8e: {  	[sflag:s9] =	ssyncadd.s32 $0xFFFFFF80  }
0x8f: {  	_ =	swait.ge [sflag:s9], $0x80  }
0x90: {  	[sflag:s9] =	ssyncset.done $0x0  }
0x91: {  	[sflag:s9] =	ssyncadd.s32 $0xFFFFFF80  }
0x92: {  	_ =	swait.ge [sflag:s9], $0x80  }
0x93: {  	[sflag:s9] =	ssyncset.done $0x0  }
0x94: {  	[sflag:s9] =	ssyncadd.s32 $0xFFFFFF80  }
0x95: {  	_ =	swait.ge [sflag:s9], $0x80  }
0x96: {  	[sflag:s9] =	ssyncset.done $0x0  }
0x97: {  	[sflag:s9] =	ssyncadd.s32 $0xFFFFFF80  }
0x98: {  	_ =	swait.ge [sflag:s9], $0x80  }
0x99: {  	[sflag:s9] =	ssyncset.done $0x0  }
0x9a: {  	[sflag:s9] =	ssyncadd.s32 $0xFFFFFF80  }
0x9b: {  	_ =	swait.ge [sflag:s9], $0x80  }
0x9c: {  	[sflag:s9] =	ssyncset.done $0x0  }
0x9d: {  	[sflag:s9] =	ssyncadd.s32 $0xFFFFFF80  }
0x9e: {  	_ =	swait.ge [sflag:s9], $0x80  }
0x9f: {  	[sflag:s9] =	ssyncset.done $0x0  }
0xa0: {  	[sflag:s9] =	ssyncadd.s32 $0xFFFFFF80  }
0xa1: {  	_ =	swait.ge [sflag:s9], $0x80  }
0xa2: {  	[sflag:s9] =	ssyncset.done $0x0  }
0xa3: {  	[sflag:s9] =	ssyncadd.s32 $0xFFFFFF80  }
0xa4: {  	_ =	swait.ge [sflag:s9], $0x80  }
0xa5: {  	[sflag:s9] =	ssyncset.done $0x0  }
0xa6: {  	[sflag:s9] =	ssyncadd.s32 $0xFFFFFF80  }
0xa7: {  	_ =	swait.ge [sflag:s9], $0x80  }
0xa8: {  	[sflag:s9] =	ssyncset.done $0x0  }
0xa9: {  	[sflag:s9] =	ssyncadd.s32 $0xFFFFFF80  }
0xaa: {  	_ =	swait.ge [sflag:s9], $0x80  }
0xab: {  	[sflag:s9] =	ssyncset.done $0x0  }
0xac: {  	[sflag:s9] =	ssyncadd.s32 $0xFFFFFF80  }
0xad: {  	_ =	swait.ge [sflag:s9], $0x80  }
0xae: {  	[sflag:s9] =	ssyncset.done $0x0  }
0xaf: {  	[sflag:s9] =	ssyncadd.s32 $0xFFFFFF80  }
0xb0: {  	_ =	swait.ge [sflag:s9], $0x80  }
0xb1: {  	[sflag:s9] =	ssyncset.done $0x0  }
0xb2: {  	[sflag:s9] =	ssyncadd.s32 $0xFFFFFF80  }
0xb3: {  	_ =	swait.ge [sflag:s9], $0x80  }
0xb4: {  	[sflag:s9] =	ssyncset.done $0x0  }
0xb5: {  	[sflag:s9] =	ssyncadd.s32 $0xFFFFFF80  }
0xb6: {  	_ =	swait.ge [sflag:s9], $0x80  }
0xb7: {  	[sflag:s9] =	ssyncset.done $0x0  }
0xb8: {  	[sflag:s9] =	ssyncadd.s32 $0xFFFFFF80  }
0xb9: {  	_ =	swait.ge [sflag:s9], $0x80  }
0xba: {  	s30 =	simm.s32 $0x0;
	[sflag:s9] =	ssyncset.done $0x0  }
0xbb: {  	s12 =	sand.u32 $0x1F0, s30;
	[sflag:s9] =	ssyncadd.s32 $0xFFFFFF80  }
0xbc: {  	v60 =	vld [tilespmem:s12+$0x2000];
	_ =	sdelay $0x1  }
0xbd: {  	v1 =	vld [tilespmem:s12+$0x2200];
	_ =	sdelay $0x1  }
0xbe: {  	v2 =	vld [tilespmem:s12+$0x2400]  }
0xbf: {  	v0 =	vadd.f32 $0.0e+00, v60  }
0xc0: {  	v3 =	vld [tilespmem:s12+$0x2600]  }
0xc1: {  	v0 =	vadd.f32 v1, v0  }
0xc2: {  	v61 =	vld [tilespmem:s12+$0x2800]  }
0xc3: {  	v0 =	vadd.f32 v2, v0  }
0xc4: {  	v62 =	vld [tilespmem:s12+$0x2A00]  }
0xc5: {  	v0 =	vadd.f32 v3, v0  }
0xc6: {  	v63 =	vld [tilespmem:s12+$0x2C00]  }
0xc7: {  	v0 =	vadd.f32 v61, v0;
	_ =	sdelay $0x1  }
0xc8: {  	v0 =	vadd.f32 v62, v0;
	_ =	sdelay $0x1  }
0xc9: {  	v0 =	vadd.f32 v63, v0  }
0xca: {  	s31 =	simm.s32 $0x10;
	s12 =	simm.s32 $0x2E00  }
0xcb: {  	s14 =	simm.s32 $0x20;
	s13 =	sand.u32 $0x1F0, s31;
	[tilespmem:s12+$0x0] =	vst v0  }
.LBB2_4:
0xcc: {  	p0 =	sne.s32 s14, $0x1F0;
	v0 =	vld [tilespmem:s13+$0x2000];
	_ =	sdelay $0x1  }
0xcd: {  	v1 =	vld [tilespmem:s13+$0x2200];
	_ =	sdelay $0x1  }
0xce: {  	v2 =	vld [tilespmem:s13+$0x2400]  }
0xcf: {  	v0 =	vadd.f32 $0.0e+00, v0  }
0xd0: {  	v3 =	vld [tilespmem:s13+$0x2600]  }
0xd1: {  	v0 =	vadd.f32 v1, v0  }
0xd2: {  	v1 =	vld [tilespmem:s13+$0x2800]  }
0xd3: {  	v0 =	vadd.f32 v2, v0  }
0xd4: {  	v2 =	vld [tilespmem:s13+$0x2A00]  }
0xd5: {  	v0 =	vadd.f32 v3, v0  }
0xd6: {  	v3 =	vld [tilespmem:s13+$0x2C00]  }
0xd7: {  	v0 =	vadd.f32 v1, v0;
	_ =	sdelay $0x1  }
.Ltmp1:
0xd8: {  	v0 =	vadd.f32 v2, v0;
	(pc) =	sbr.rel @p0 .LBB2_4-.Ltmp1, $4  }
0xd9: {  	_ = 	snop  }
0xda: {  	v0 =	vadd.f32 v3, v0  }
0xdb: {  	s12 =	sadd.s32 $0x10, s12  }
0xdc: {  	s13 =	sand.u32 $0x1F0, s14;
	s14 =	sadd.s32 $0x10, s14;
	[tilespmem:s12+$0x0] =	vst v0  }
0xdd: {  	v0 =	vld [tilespmem:s13+$0x2000];
	_ =	sdelay $0x1  }
0xde: {  	v1 =	vld [tilespmem:s13+$0x2200];
	_ =	sdelay $0x1  }
0xdf: {  	v2 =	vld [tilespmem:s13+$0x2400]  }
0xe0: {  	v0 =	vadd.f32 $0.0e+00, v0  }
0xe1: {  	v3 =	vld [tilespmem:s13+$0x2600]  }
0xe2: {  	v0 =	vadd.f32 v1, v0  }
0xe3: {  	v61 =	vld [tilespmem:s13+$0x2800]  }
0xe4: {  	v0 =	vadd.f32 v2, v0  }
0xe5: {  	v62 =	vld [tilespmem:s13+$0x2A00]  }
0xe6: {  	v0 =	vadd.f32 v3, v0  }
0xe7: {  	v63 =	vld [tilespmem:s13+$0x2C00]  }
0xe8: {  	v0 =	vadd.f32 v61, v0;
	_ =	sdelay $0x1  }
0xe9: {  	v0 =	vadd.f32 v62, v0;
	_ =	sdelay $0x1  }
0xea: {  	s11 =	sadd.s32 $0x1, s11;
	v0 =	vadd.f32 v63, v0  }
0xeb: {  	s12 =	sadd.s32 $0x10, s12;
	p0 =	sne.s32 s11, s6  }
.Ltmp2:
0xec: {  	[tilespmem:s12+$0x0] =	vst v0;
	(pc) =	sbr.rel @p0 .LBB2_1-.Ltmp2, $4  }
0xed: {  	[hbm4b:s5+s2] =	stream.linear.scatter [tilespmem:s10], [sflag:$0x2], $0x200, $0x38;
	[tilespmem:$0x3000] =	vst v63  }
0xee: {  	_ =	swait.ge [sflag:s7], $0x200  }
0xef: {  	[sflag:s7] =	ssyncset.done $0x0  }
0xf0: {  	[sflag:s7] =	ssyncadd.s32 $0xFFFFFE00  }
0xf1: {  	_ =	sfence.sel $0x180000  }
0xf2: {  	[bflag:$0x0] =	sbarrier.arrive $0xFFFF  }
0xf3: {  	p0 =	sne.s32 s1, $0x0;
	_ =	strace $0x90000047  }
0xf4: {  	s0 =	sadd.s32 @!p0 $0x100000, s0;
	[bflag:$0x2] =	sbarrier.arrive $0xFFFF  }
0xf5: {  	[sflag:s0] =	ssyncadd.tile.s32 @!p0 $0x1;
	_ =	shalt  }
.Lfunc_end2:
_tile_overlayer_lowered:
.L_overlay_start_2:
0xf6: {  	(tag) =	ssettag $0x2  }
0xf7: {  	s0 =	rddreg [dreg:$0x0];
	s2 =	stileid.u32  }
0xf8: {  	s1 =	rddreg [dreg:$0x1];
	p0 =	sne.s32 s2, $0x0  }
0xf9: {  	s3 =	rddreg [dreg:$0x2];
	[bflag:$0x3] =	sbarrier.arrive $0xFFFF;
	s2 =	simm.s32 @!p0 $0x1C02  }
0xfa: {  	[timem:s3], [sflag:s2] =	dma.local @!p0 [hbm:s0], s1  }
0xfb: {  	s0 =	simm.s32 @!p0 $0x2  }
0xfc: {  	_ =	swait.ge @!p0 [sflag:s0], s1  }
0xfd: {  	s1 =	ssub.s32 @!p0 $0x0, s1;
	[sflag:s0] =	ssyncset.done @!p0 $0x0  }
0xfe: {  	[sflag:s0] =	ssyncadd.s32 @!p0 s1  }
0xff: {  	[bflag:$0x3] =	sbarrier.arrive $0xFFFF  }
0x100: {  	_ =	shalt  }

// kernel: kernel.13.cloned.1.call-start
scs
__scs_entry_jumppad:
0x0: {  	(pc) =	sbr.rel $0x88, $3  }
0x1: {  	(tag) =	ssettag $0x0;
	lr =	simm.s32 $0x1  }
0x2: {  	[smem:$0x3F9E] =	sst lr;
	_ =	strace $0xD0000000  }
0x3: {  	_ = 	snop  }
0x4: {  	_ = 	snop  }
0x5: {  	_ = 	snop  }
0x6: {  	_ = 	snop  }
0x7: {  	_ = 	snop  }
__scs_overlays_trampoline_lowered:
0x8: {  	[smem:$0x3FAD] =	sst s0  }
0x9: {  	[smem:$0x3FAE] =	sst s1  }
0xa: {  	[smem:$0x3FAF] =	sst s2  }
0xb: {  	[smem:$0x3FB0] =	sst s3  }
0xc: {  	[smem:$0x3FB1] =	sst s4  }
0xd: {  	[smem:$0x3FB2] =	sst s5  }
0xe: {  	[smem:$0x3FB3] =	sst s6  }
0xf: {  	[smem:$0x3FB4] =	sst s7  }
0x10: {  	[smem:$0x3FB5] =	sst s8  }
0x11: {  	[smem:$0x3FB6] =	sst s9;
	s0 =	simm.s32 @!p0 $0x0  }
0x12: {  	s1 =	sld [smem:$0x3F9C];
	s0 =	simm.s32 @p0 $0x1  }
0x13: {  	[smem:$0x3FB7] =	sst s0;
	s0 =	simm.s32 @!p1 $0x0  }
0x14: {  	s2 =	sld [smem:$0x3F9B];
	s0 =	simm.s32 @p1 $0x1  }
0x15: {  	[smem:$0x3FB8] =	sst s0;
	s0 =	simm.s32 @!p2 $0x0  }
0x16: {  	s3 =	sld [smem:$0x3FDB];
	s0 =	simm.s32 @p2 $0x1  }
0x17: {  	s4 =	simm.s32 $0x1BF5;
	[smem:$0x3FBA] =	sst s0  }
0x18: {  	s0 =	sld [smem:$0x3F9D];
	_ =	swait.ge [sflag:s4], $0x0  }
0x19: {  	s7 =	sld [smem:$0x3F9E]  }
0x1a: {  	s8 =	sadd.s32 $0xFFFFE003, lr  }
0x1b: {  	s9 =	sadd.s32 $0xFFFFFEF7, lr;
	s5 =	simm.s32 $0xFFFFFFFF;
	p2 =	slt.u32 s8, $0xFFFFF086  }
0x1c: {  	p1 =	slt.u32 s9, $0xF7A;
	s5 =	simm.s32 @!p2 $0x0  }
0x1d: {  	s5 =	simm.s32 @p1 $0x1;
	p0 =	seq.s32 s7, s2  }
0x1e: {  	s7 =	smul.u32 @!p0 $0xF7A, s2;
	p2 =	seq.s32 @!p0 s5, $0x0  }
0x1f: {  	s9 =	smul.u32 $0xF7A, s1;
	s8 =	simm.s32 @!p0 $0x1BF5;
	p2 =	por !p2, p0  }
0x20: {  	[sflag:s8] =	ssyncset.s32 @!p0 $0xFFFFF086;
	s6 =	sadd.s32 @!p0 s3, s7;
	s7 =	simm.s32 @!p0 $0x108  }
0x21: {  	s3 =	sadd.s32 s3, s9;
	s6 =	sadd.s32 @!p0 $0x88, s6;
	s7 =	simm.s32 @p2 $0x1082  }
0x22: {  	[simem:s7], [sflag:s8] =	dma.local @!p0 [hbm:s6], $0xF7A  }
0x23: {  	s9 =	sor.u32 $0xD0000000, s2;
	s6 =	simm.s32 $0x108;
	_ =	swait.ge @!p0 [sflag:s8], $0x0  }
0x24: {  	s3 =	sadd.s32 $0x88, s3;
	s6 =	simm.s32 @!p1 $0x1082;
	[sflag:s4] =	ssyncset.s32 $0xFFFFF086  }
0x25: {  	[simem:s6], [sflag:s4] =	dma.local [hbm:s3], $0xF7A  }
0x26: {  	[smem:$0x3F9E] =	sst s1;
	(tag) =	ssettag s2;
	_ =	strace s9  }
0x27: {  	s1 =	sld [smem:$0x3FAE]  }
0x28: {  	s2 =	sld [smem:$0x3FAF]  }
0x29: {  	s4 =	sld [smem:$0x3FB1]  }
0x2a: {  	p0 =	seq.s32 s5, $0x0;
	s5 =	sld [smem:$0x3FB2]  }
0x2b: {  	s6 =	sld [smem:$0x3FB3]  }
0x2c: {  	s7 =	sld [smem:$0x3FB4]  }
0x2d: {  	s3 =	simm.s32 $0x108;
	s8 =	sld [smem:$0x3FB5]  }
0x2e: {  	s3 =	simm.s32 @!p0 $0x1082;
	s9 =	sld [smem:$0x3FB6]  }
0x2f: {  	lr =	sadd.s32 s0, s3;
	s0 =	sld [smem:$0x3FAD]  }
0x30: {  	s3 =	sld [smem:$0x3FB0]  }
0x31: {  	[smem:$0x3FB9] =	sst s10  }
0x32: {  	s10 =	sld [smem:$0x3FB7];
	_ =	sdelay $0x3  }
0x33: {  	p0 =	seq.s32 s10, $0x1;
	s10 =	sld [smem:$0x3FB9];
	_ =	sdelay $0x3  }
0x34: {  	[smem:$0x3FB9] =	sst s10  }
0x35: {  	s10 =	sld [smem:$0x3FB8];
	_ =	sdelay $0x3  }
0x36: {  	p1 =	seq.s32 s10, $0x1;
	s10 =	sld [smem:$0x3FB9];
	_ =	sdelay $0x3  }
0x37: {  	[smem:$0x3FB9] =	sst s10  }
0x38: {  	s10 =	sld [smem:$0x3FBA]  }
0x39: {  	_ = 	snop;
	(pc) =	sbr.ind lr, $3  }
0x3a: {  	_ = 	snop  }
0x3b: {  	_ = 	snop  }
0x3c: {  	p2 =	seq.s32 s10, $0x1;
	s10 =	sld [smem:$0x3FB9]  }
0x3d: {  	_ =	shalt  }
0x3e: {  	_ =	shalt  }
0x3f: {  	_ =	shalt  }
0x40: {  	_ =	shalt  }
0x41: {  	_ =	shalt  }
0x42: {  	_ =	shalt  }
0x43: {  	_ =	shalt  }
0x44: {  	_ =	shalt  }
0x45: {  	_ =	shalt  }
0x46: {  	_ =	shalt  }
0x47: {  	_ =	shalt  }
0x48: {  	_ =	shalt  }
0x49: {  	_ =	shalt  }
0x4a: {  	_ =	shalt  }
0x4b: {  	_ =	shalt  }
0x4c: {  	_ =	shalt  }
0x4d: {  	_ =	shalt  }
0x4e: {  	_ =	shalt  }
0x4f: {  	_ =	shalt  }
0x50: {  	_ =	shalt  }
0x51: {  	_ =	shalt  }
0x52: {  	_ =	shalt  }
0x53: {  	_ =	shalt  }
0x54: {  	_ =	shalt  }
0x55: {  	_ =	shalt  }
0x56: {  	_ =	shalt  }
0x57: {  	_ =	shalt  }
0x58: {  	_ =	shalt  }
0x59: {  	_ =	shalt  }
0x5a: {  	_ =	shalt  }
0x5b: {  	_ =	shalt  }
0x5c: {  	_ =	shalt  }
0x5d: {  	_ =	shalt  }
0x5e: {  	_ =	shalt  }
0x5f: {  	_ =	shalt  }
0x60: {  	_ =	shalt  }
0x61: {  	_ =	shalt  }
0x62: {  	_ =	shalt  }
0x63: {  	_ =	shalt  }
0x64: {  	_ =	shalt  }
0x65: {  	_ =	shalt  }
0x66: {  	_ =	shalt  }
0x67: {  	_ =	shalt  }
0x68: {  	_ =	shalt  }
0x69: {  	_ =	shalt  }
0x6a: {  	_ =	shalt  }
0x6b: {  	_ =	shalt  }
0x6c: {  	_ =	shalt  }
0x6d: {  	_ =	shalt  }
0x6e: {  	_ =	shalt  }
0x6f: {  	_ =	shalt  }
0x70: {  	_ =	shalt  }
0x71: {  	_ =	shalt  }
0x72: {  	_ =	shalt  }
0x73: {  	_ =	shalt  }
0x74: {  	_ =	shalt  }
0x75: {  	_ =	shalt  }
0x76: {  	_ =	shalt  }
0x77: {  	_ =	shalt  }
0x78: {  	_ =	shalt  }
0x79: {  	_ =	shalt  }
0x7a: {  	_ =	shalt  }
0x7b: {  	_ =	shalt  }
0x7c: {  	_ =	shalt  }
0x7d: {  	_ =	shalt  }
0x7e: {  	_ =	shalt  }
0x7f: {  	_ =	shalt  }
0x80: {  	_ =	shalt  }
0x81: {  	_ =	shalt  }
0x82: {  	_ =	shalt  }
0x83: {  	_ =	shalt  }
0x84: {  	_ =	shalt  }
0x85: {  	_ =	shalt  }
0x86: {  	_ =	shalt  }
0x87: {  	_ =	shalt  }
.Lfunc_end0:
.L_simem_size_0:
called_computation.2_lowered:
.L_overlay_start_0:
0x88: {  	s2 =	sld [smem:$0x3FD9]  }
0x89: {  	s3 =	sld [smem:$0x3FFE];
	_ =	sdelay $0x1  }
0x8a: {  	s1 =	srdreg.scid  }
0x8b: {  	s0 =	sand.u32 $0x1, s1  }
0x8c: {  	s17 =	sshll.u32 s0, $0xA;
	s2 =	sadd.s32 s3, s2  }
0x8d: {  	s2 =	sadd.s32 s2, s17  }
0x8e: {  	[smem:$0x3FC5] =	sst s2  }
0x8f: {  	_ = 	snop  }
0x90: {  	(tm) =	ssettm $0x1  }
0x91: {  	s18 =	sld [smem:$0x3FFB];
	_ =	sdelay $0x3  }
0x92: {  	_ =	strace s18  }
0x93: {  	s2 =	sld [smem:$0x3FFC];
	_ =	sdelay $0x3  }
0x94: {  	_ =	strace s2  }
0x95: {  	s2 =	sld [smem:$0x3FFD];
	_ =	sdelay $0x3  }
0x96: {  	_ =	strace s2  }
0x97: {  	_ =	strace $0x8FFFFFFF  }
0x98: {  	s19 =	sld [smem:$0x3FDB];
	_ =	sdelay $0x1  }
0x99: {  	s20 =	simm.s32 $_scs_section_size  }
0x9a: {  	s4 =	simm.s32 $_size__tile_overlayer_lowered;
	s5 =	simm.s32 $_tile_overlayer_lowered  }
0x9b: {  	s6 =	simm.s32 $0x1BFF;
	s21 =	sshll.u32 s5, $0x1;
	s3 =	sadd.s32 s20, s19  }
0x9c: {  	s22 =	simm.s32 $0x0;
	s4 =	sshll.u32 s4, $0x1;
	s5 =	sadd.s32 s21, s3  }
0x9d: {  	[timem:s22], [sflag:s6] =	dma.local [hbm:s5], s4  }
0x9e: {  	_ =	swait.ge [sflag:s6], s4  }
0x9f: {  	s4 =	ssub.s32 $0x0, s4;
	[sflag:s6] =	ssyncset.done $0x0  }
0xa0: {  	[sflag:s6] =	ssyncadd.s32 s4;
	_ =	sdelay $0x1  }
0xa1: {  	s23 =	simm.s32 $0x1B8B  }
0xa2: {  	_ =	swait.ge [sflag:s23], $0x1  }
0xa3: {  	[sflag:s23] =	ssyncset.done $0x0  }
0xa4: {  	[sflag:s23] =	ssyncadd.s32 $0xFFFFFFFF  }
0xa5: {  	s4 =	sld [smem:$0x0]  }
0xa6: {  	s5 =	sand.u32 $0xFFFFFFFE, s1  }
0xa7: {  	p0 =	sne.s32 s1, s5  }
0xa8: {  	s5 =	sshll.u32 @p0 s5, $0xE  }
0xa9: {  	s5 =	sadd.s32 @p0 $0x11B8D, s5;
	s6 =	sshll.u32 @p0 s4, $0x11  }
0xaa: {  	s5 =	sor.u32 @p0 s6, s5  }
0xab: {  	[sflag:s5] =	ssyncadd.remote.s32 @p0 $0x1;
	_ =	sdelay $0x1  }
0xac: {  	s5 =	simm.s32 @p0 $0x1B8D  }
0xad: {  	_ =	swait.eq @p0 [sflag:s5], $0x1  }
0xae: {  	[sflag:s5] =	ssyncadd.s32 @p0 $0xFFFFFFFF  }
0xaf: {  	s6 =	sshll.u32 @!p0 s1, $0xE  }
0xb0: {  	s6 =	sor.u32 @!p0 $0x4000, s6;
	s5 =	simm.s32 @!p0 $0x1B8D  }
0xb1: {  	s4 =	sshll.u32 @!p0 s4, $0x11;
	s6 =	sadd.s32 @!p0 $0x11B8D, s6;
	_ =	swait.eq @!p0 [sflag:s5], $0x1  }
0xb2: {  	s4 =	sor.u32 @!p0 s4, s6;
	[sflag:s5] =	ssyncadd.s32 @!p0 $0xFFFFFFFF  }
0xb3: {  	s25 =	simm.s32 $0x1B8E;
	s24 =	sld [smem:$0x3FFE];
	[sflag:s4] =	ssyncadd.remote.s32 @!p0 $0x1  }
0xb4: {  	s26 =	simm.s32 $execute0_lowered;
	[smem:$0x3FD2] =	sst s25  }
0xb5: {  	s5 =	sshll.u32 s26, $0x1;
	_ =	strace $0x8000004C;
	[dreg:$0x1] =	wrdreg $0xFFFFFFFF  }
0xb6: {  	s28 =	simm.s32 $_size_execute0_lowered;
	s3 =	sadd.s32 s3, s5;
	[dreg:$0x0] =	wrdreg $0x0  }
0xb7: {  	s5 =	sshll.u32 s28, $0x1;
	[dreg:$0x2] =	wrdreg s3  }
0xb8: {  	[dreg:$0x3] =	wrdreg s5  }
0xb9: {  	[dreg:$0x4] =	wrdreg $0xC0  }
0xba: {  	_ =	task [dreg:s22], $0x5FFFF  }
0xbb: {  	[dreg:$0x1] =	wrdreg $0xFFFFFFFF  }
0xbc: {  	[dreg:$0x0] =	wrdreg $0x60  }
0xbd: {  	[dreg:$0x2] =	wrdreg s24  }
0xbe: {  	[dreg:$0x3] =	wrdreg $0xB  }
0xbf: {  	_ =	task.clear_ibuf [dreg:s22], $0x4FFFF;
	_ =	strace $0x9000004C  }
0xc0: {  	s29 =	simm.s32 $0xB;
	_ =	strace $0x8000004E  }
0xc1: {  	_ =	swait.ge [sflag:s29], $0x1  }
0xc2: {  	[sflag:s29] =	ssyncadd.s32 $0xFFFFFFFF  }
0xc3: {  	_ =	strace $0x9000004E  }
0xc4: {  	_ =	sfence  }
0xc5: {  	s30 =	sld [smem:$0x0];
	_ =	sdelay $0x2  }
0xc6: {  	s31 =	sshll.u32 s1, $0xD;
	s1 =	sshrl.u32 s1, $0x2  }
0xc7: {  	s4 =	sand.u32 $0x4000, s31;
	s1 =	sadd.s32 s1, s30  }
0xc8: {  	s0 =	sor.u32 s4, s0;
	s1 =	sshll.u32 s1, $0x11  }
0xc9: {  	s0 =	sor.u32 s1, s0  }
0xca: {  	s0 =	sadd.s32 $0x8F2B, s0  }
0xcb: {  	[sflag:s0] =	ssyncadd.remote.s32 $0x1  }
0xcc: {  	_ =	sfence.sel $0xFFFF  }
0xcd: {  	[dreg:$0x0] =	wrdreg $0xFFFFFFFF;
	(pc) =	sbr.abs _section_cstart, $3  }
0xce: {  	[dreg:$0x1] =	wrdreg $0xFFFFFFFF  }
0xcf: {  	_ =	task.clear_ibuf [dreg:s22], $0x2FFFF;
	_ =	strace $0x9FFFFFFF  }
0xd0: {  	(tm) =	ssettm $0x7FFFFFFF  }
0xd1: {  	_ =	shalt  }
tec
execute0_lowered:
.L_overlay_start_1:
0x0: {  	(tag) =	ssettag $0x1  }
0x1: {  	s4 =	rddreg [dreg:$0x0]  }
0x2: {  	s0 =	rddreg [dreg:$0x1]  }
0x3: {  	s3 =	srdreg.scid;
	s2 =	simm.s32 $0x0;
	s1 =	stileid.u32  }
0x4: {  	s8 =	simm.s32 $0x80;
	s9 =	simm.s32 $0x1;
	s10 =	simm.s32 $0x2800  }
0x5: {  	s11 =	simm.s32 $0x0;
	s3 =	sand.u32 $0x1, s3;
	[smem:$0x7FF] =	sst s2  }
0x6: {  	s5 =	sshll.u32 s1, $0xA;
	s6 =	sshll.u32 s3, $0x9;
	_ =	strace $0x8000004D  }
0x7: {  	s7 =	ssub.s32 $0x2, s3;
	s3 =	sadd.s32 $0x1B5A00, s4;
	s5 =	sor.u32 s6, s5  }
0x8: {  	s31 =	sshrl.u32 s7, $0x1;
	s6 =	sadd.s32 s5, s4;
	s5 =	sshrl.u32 s5, $0x3  }
0x9: {  	s7 =	ssub.s32 s7, s31;
	s5 =	sadd.s32 s5, s4;
	s4 =	sadd.s32 $0x26CC00, s6  }
0xa: {  	s6 =	smax.u32 s7, $0x1;
	s7 =	simm.s32 $0x2;
	s5 =	sadd.s32 $0x274C00, s5  }
.LBB2_1:
0xb: {  	[tilespmem:s2], [sflag:$0x2] =	stream.linear.gather [hbm4b:s4+s2], $0x1000, $0x38;
	[tilespmem:$0x2A00] =	vst v63  }
0xc: {  	s12 =	simm.s32 $0x0  }
0xd: {  	s13 =	smul.u32 $0xFFFFC200, s12  }
0xe: {  	_ =	swait.ge [sflag:s7], $0x1000  }
0xf: {  	[sflag:s7] =	ssyncset.done $0x0;
	s13 =	sshra.s32 s13, $0x2  }
0x10: {  	[sflag:s7] =	ssyncadd.s32 $0xFFFFF000;
	s13 =	sadd.s32 $0x0, s13  }
0x11: {  	v0 =	vld [tilespmem:s13+$0x0];
	_ =	sdelay $0x2  }
0x12: {  	s16 =	smul.u32 $0xF4240, s12;
	_ =	sdelay $0x1  }
0x13: {  	s14 =	simm.s32 $0x1000;
	v0 =	vadd.s32 s16, v0  }
0x14: {  	[tilespmem:s14+$0x0] =	vst v0  }
0x15: {  	v0 =	vld [tilespmem:s13+$0x10];
	_ =	sdelay $0x4  }
0x16: {  	v0 =	vadd.s32 s16, v0  }
0x17: {  	[tilespmem:s14+$0x10] =	vst v0  }
0x18: {  	v0 =	vld [tilespmem:s13+$0x20];
	_ =	sdelay $0x4  }
0x19: {  	v0 =	vadd.s32 s16, v0  }
0x1a: {  	[tilespmem:s14+$0x20] =	vst v0  }
0x1b: {  	v0 =	vld [tilespmem:s13+$0x30];
	_ =	sdelay $0x4  }
0x1c: {  	v0 =	vadd.s32 s16, v0  }
0x1d: {  	[tilespmem:s14+$0x30] =	vst v0  }
0x1e: {  	v0 =	vld [tilespmem:s13+$0x40];
	_ =	sdelay $0x4  }
0x1f: {  	v0 =	vadd.s32 s16, v0  }
0x20: {  	[tilespmem:s14+$0x40] =	vst v0  }
0x21: {  	v0 =	vld [tilespmem:s13+$0x50];
	_ =	sdelay $0x4  }
0x22: {  	v0 =	vadd.s32 s16, v0  }
0x23: {  	[tilespmem:s14+$0x50] =	vst v0  }
0x24: {  	v0 =	vld [tilespmem:s13+$0x60];
	_ =	sdelay $0x4  }
0x25: {  	v0 =	vadd.s32 s16, v0  }
0x26: {  	[tilespmem:s14+$0x60] =	vst v0  }
0x27: {  	v0 =	vld [tilespmem:s13+$0x70];
	_ =	sdelay $0x1  }
0x28: {  	s21 =	simm.s32 $0x0  }
0x29: {  	s20 =	simm.s32 $0x2000;
	s31 =	smul.u32 $0xFFFFC200, s21  }
0x2a: {  	s15 =	simm.s32 $0x1;
	s18 =	simm.s32 $0x400;
	s12 =	simm.s32 $0x1C00  }
0x2b: {  	s19 =	sshra.s32 s31, $0x2;
	s13 =	simm.s32 $0x1080;
	v0 =	vadd.s32 s16, v0;
	s16 =	simm.s32 $0x1C00  }
.LBB2_2:
0x2c: {  	s19 =	sadd.s32 s18, s19  }
0x2d: {  	[tilespmem:s14+$0x70] =	vst v0;
	s12 =	sadd.s32 $0x80, s12;
	s18 =	smov.u32 s20;
	s17 =	sadd.s32 $0x1000, s20  }
0x2e: {  	[tilespmem:s16], [sflag:$0x1] =	stream.indirect.gather [hbm4b:s3+s8], $0x1, s14, s8, $0xb8;
	[tilespmem:$0x2A00] =	vst v63  }
0x2f: {  	p0 =	sne.s32 s20, $0x17000;
	s16 =	smov.u32 s12;
	s14 =	smov.u32 s13;
	v0 =	vld [tilespmem:s19+$0x0]  }
0x30: {  	_ =	sdelay $0x1  }
0x31: {  	s20 =	smul.u32 $0xF4240, s21;
	_ =	sdelay $0x1  }
0x32: {  	v0 =	vadd.s32 s20, v0  }
0x33: {  	[tilespmem:s13+$0x0] =	vst v0  }
0x34: {  	v0 =	vld [tilespmem:s19+$0x10];
	_ =	sdelay $0x4  }
0x35: {  	v0 =	vadd.s32 s20, v0  }
0x36: {  	[tilespmem:s13+$0x10] =	vst v0  }
0x37: {  	v0 =	vld [tilespmem:s19+$0x20];
	_ =	sdelay $0x4  }
0x38: {  	v0 =	vadd.s32 s20, v0  }
0x39: {  	[tilespmem:s13+$0x20] =	vst v0  }
0x3a: {  	v0 =	vld [tilespmem:s19+$0x30];
	_ =	sdelay $0x4  }
0x3b: {  	v0 =	vadd.s32 s20, v0  }
0x3c: {  	[tilespmem:s13+$0x30] =	vst v0  }
0x3d: {  	v0 =	vld [tilespmem:s19+$0x40];
	_ =	sdelay $0x4  }
0x3e: {  	v0 =	vadd.s32 s20, v0  }
0x3f: {  	[tilespmem:s13+$0x40] =	vst v0  }
0x40: {  	v0 =	vld [tilespmem:s19+$0x50];
	_ =	sdelay $0x4  }
0x41: {  	v0 =	vadd.s32 s20, v0  }
0x42: {  	[tilespmem:s13+$0x50] =	vst v0  }
0x43: {  	v0 =	vld [tilespmem:s19+$0x60];
	_ =	sdelay $0x4  }
0x44: {  	v0 =	vadd.s32 s20, v0  }
0x45: {  	[tilespmem:s13+$0x60] =	vst v0  }
0x46: {  	v0 =	vld [tilespmem:s19+$0x70]  }
.Ltmp0:
0x47: {  	s15 =	sadd.s32 $0x1, s15;
	(pc) =	sbr.rel @p0 .LBB2_2-.Ltmp0, $4  }
0x48: {  	s21 =	sshrl.u32 s15, $0x2  }
0x49: {  	s19 =	smul.u32 $0xFFFFC200, s21  }
0x4a: {  	s18 =	sshra.s32 s18, $0x2  }
0x4b: {  	s13 =	sadd.s32 $0x80, s13;
	s19 =	sshra.s32 s19, $0x2;
	v0 =	vadd.s32 s20, v0;
	s20 =	smov.u32 s17  }
0x4c: {  	s15 =	sadd.s32 s18, s19;
	[tilespmem:s14+$0x70] =	vst v0  }
0x4d: {  	[tilespmem:s16], [sflag:$0x1] =	stream.indirect.gather [hbm4b:s3+s8], $0x1, s14, s8, $0xb8;
	[tilespmem:$0x2A00] =	vst v63  }
0x4e: {  	v0 =	vld [tilespmem:s15+$0x0];
	_ =	sdelay $0x2  }
0x4f: {  	s29 =	smul.u32 $0xF4240, s21;
	_ =	sdelay $0x1  }
0x50: {  	v0 =	vadd.s32 s29, v0  }
0x51: {  	[tilespmem:s13+$0x0] =	vst v0  }
0x52: {  	v0 =	vld [tilespmem:s15+$0x10];
	_ =	sdelay $0x4  }
0x53: {  	v0 =	vadd.s32 s29, v0  }
0x54: {  	[tilespmem:s13+$0x10] =	vst v0  }
0x55: {  	v0 =	vld [tilespmem:s15+$0x20];
	_ =	sdelay $0x4  }
0x56: {  	v0 =	vadd.s32 s29, v0  }
0x57: {  	[tilespmem:s13+$0x20] =	vst v0  }
0x58: {  	v0 =	vld [tilespmem:s15+$0x30];
	_ =	sdelay $0x4  }
0x59: {  	v0 =	vadd.s32 s29, v0  }
0x5a: {  	[tilespmem:s13+$0x30] =	vst v0  }
0x5b: {  	v0 =	vld [tilespmem:s15+$0x40];
	_ =	sdelay $0x4  }
0x5c: {  	v0 =	vadd.s32 s29, v0  }
0x5d: {  	[tilespmem:s13+$0x40] =	vst v0  }
0x5e: {  	v0 =	vld [tilespmem:s15+$0x50];
	_ =	sdelay $0x4  }
0x5f: {  	v0 =	vadd.s32 s29, v0  }
0x60: {  	[tilespmem:s13+$0x50] =	vst v0  }
0x61: {  	v0 =	vld [tilespmem:s15+$0x60];
	_ =	sdelay $0x4  }
0x62: {  	v0 =	vadd.s32 s29, v0  }
0x63: {  	[tilespmem:s13+$0x60] =	vst v0  }
0x64: {  	v0 =	vld [tilespmem:s15+$0x70];
	_ =	sdelay $0x4  }
0x65: {  	v0 =	vadd.s32 s29, v0  }
0x66: {  	s12 =	sadd.s32 $0x80, s12;
	[tilespmem:s13+$0x70] =	vst v0  }
0x67: {  	[tilespmem:s12], [sflag:$0x1] =	stream.indirect.gather [hbm4b:s3+s8], $0x1, s13, s8, $0xb8;
	[tilespmem:$0x2A00] =	vst v63  }
0x68: {  	_ =	swait.ge [sflag:s9], $0x80  }
0x69: {  	[sflag:s9] =	ssyncset.done $0x0  }
0x6a: {  	[sflag:s9] =	ssyncadd.s32 $0xFFFFFF80  }
0x6b: {  	_ =	swait.ge [sflag:s9], $0x80  }
0x6c: {  	[sflag:s9] =	ssyncset.done $0x0  }
0x6d: {  	[sflag:s9] =	ssyncadd.s32 $0xFFFFFF80  }
0x6e: {  	_ =	swait.ge [sflag:s9], $0x80  }
0x6f: {  	[sflag:s9] =	ssyncset.done $0x0  }
0x70: {  	[sflag:s9] =	ssyncadd.s32 $0xFFFFFF80  }
0x71: {  	_ =	swait.ge [sflag:s9], $0x80  }
0x72: {  	[sflag:s9] =	ssyncset.done $0x0  }
0x73: {  	[sflag:s9] =	ssyncadd.s32 $0xFFFFFF80  }
0x74: {  	_ =	swait.ge [sflag:s9], $0x80  }
0x75: {  	[sflag:s9] =	ssyncset.done $0x0  }
0x76: {  	[sflag:s9] =	ssyncadd.s32 $0xFFFFFF80  }
0x77: {  	_ =	swait.ge [sflag:s9], $0x80  }
0x78: {  	[sflag:s9] =	ssyncset.done $0x0  }
0x79: {  	[sflag:s9] =	ssyncadd.s32 $0xFFFFFF80  }
0x7a: {  	_ =	swait.ge [sflag:s9], $0x80  }
0x7b: {  	[sflag:s9] =	ssyncset.done $0x0  }
0x7c: {  	[sflag:s9] =	ssyncadd.s32 $0xFFFFFF80  }
0x7d: {  	_ =	swait.ge [sflag:s9], $0x80  }
0x7e: {  	[sflag:s9] =	ssyncset.done $0x0  }
0x7f: {  	[sflag:s9] =	ssyncadd.s32 $0xFFFFFF80  }
0x80: {  	_ =	swait.ge [sflag:s9], $0x80  }
0x81: {  	[sflag:s9] =	ssyncset.done $0x0  }
0x82: {  	[sflag:s9] =	ssyncadd.s32 $0xFFFFFF80  }
0x83: {  	_ =	swait.ge [sflag:s9], $0x80  }
0x84: {  	[sflag:s9] =	ssyncset.done $0x0  }
0x85: {  	[sflag:s9] =	ssyncadd.s32 $0xFFFFFF80  }
0x86: {  	_ =	swait.ge [sflag:s9], $0x80  }
0x87: {  	[sflag:s9] =	ssyncset.done $0x0  }
0x88: {  	[sflag:s9] =	ssyncadd.s32 $0xFFFFFF80  }
0x89: {  	_ =	swait.ge [sflag:s9], $0x80  }
0x8a: {  	[sflag:s9] =	ssyncset.done $0x0  }
0x8b: {  	[sflag:s9] =	ssyncadd.s32 $0xFFFFFF80  }
0x8c: {  	_ =	swait.ge [sflag:s9], $0x80  }
0x8d: {  	[sflag:s9] =	ssyncset.done $0x0  }
0x8e: {  	[sflag:s9] =	ssyncadd.s32 $0xFFFFFF80  }
0x8f: {  	_ =	swait.ge [sflag:s9], $0x80  }
0x90: {  	[sflag:s9] =	ssyncset.done $0x0  }
0x91: {  	[sflag:s9] =	ssyncadd.s32 $0xFFFFFF80  }
0x92: {  	_ =	swait.ge [sflag:s9], $0x80  }
0x93: {  	[sflag:s9] =	ssyncset.done $0x0  }
0x94: {  	[sflag:s9] =	ssyncadd.s32 $0xFFFFFF80  }
0x95: {  	_ =	swait.ge [sflag:s9], $0x80  }
0x96: {  	[sflag:s9] =	ssyncset.done $0x0  }
0x97: {  	[sflag:s9] =	ssyncadd.s32 $0xFFFFFF80  }
0x98: {  	_ =	swait.ge [sflag:s9], $0x80  }
0x99: {  	[sflag:s9] =	ssyncset.done $0x0  }
0x9a: {  	[sflag:s9] =	ssyncadd.s32 $0xFFFFFF80  }
0x9b: {  	_ =	swait.ge [sflag:s9], $0x80  }
0x9c: {  	[sflag:s9] =	ssyncset.done $0x0  }
0x9d: {  	[sflag:s9] =	ssyncadd.s32 $0xFFFFFF80  }
0x9e: {  	_ =	swait.ge [sflag:s9], $0x80  }
0x9f: {  	[sflag:s9] =	ssyncset.done $0x0  }
0xa0: {  	[sflag:s9] =	ssyncadd.s32 $0xFFFFFF80  }
0xa1: {  	_ =	swait.ge [sflag:s9], $0x80  }
0xa2: {  	[sflag:s9] =	ssyncset.done $0x0  }
0xa3: {  	[sflag:s9] =	ssyncadd.s32 $0xFFFFFF80  }
0xa4: {  	_ =	swait.ge [sflag:s9], $0x80  }
0xa5: {  	[sflag:s9] =	ssyncset.done $0x0  }
0xa6: {  	[sflag:s9] =	ssyncadd.s32 $0xFFFFFF80  }
0xa7: {  	_ =	swait.ge [sflag:s9], $0x80  }
0xa8: {  	[sflag:s9] =	ssyncset.done $0x0  }
0xa9: {  	[sflag:s9] =	ssyncadd.s32 $0xFFFFFF80  }
0xaa: {  	_ =	swait.ge [sflag:s9], $0x80  }
0xab: {  	[sflag:s9] =	ssyncset.done $0x0  }
0xac: {  	[sflag:s9] =	ssyncadd.s32 $0xFFFFFF80  }
0xad: {  	_ =	swait.ge [sflag:s9], $0x80  }
0xae: {  	s30 =	simm.s32 $0x0;
	[sflag:s9] =	ssyncset.done $0x0  }
0xaf: {  	s12 =	sand.u32 $0x1F0, s30;
	[sflag:s9] =	ssyncadd.s32 $0xFFFFFF80  }
0xb0: {  	v61 =	vld [tilespmem:s12+$0x1C00];
	_ =	sdelay $0x1  }
0xb1: {  	v1 =	vld [tilespmem:s12+$0x1E00];
	_ =	sdelay $0x1  }
0xb2: {  	v2 =	vld [tilespmem:s12+$0x2000]  }
0xb3: {  	v0 =	vadd.f32 $0.0e+00, v61  }
0xb4: {  	v3 =	vld [tilespmem:s12+$0x2200]  }
0xb5: {  	v0 =	vadd.f32 v1, v0  }
0xb6: {  	v62 =	vld [tilespmem:s12+$0x2400]  }
0xb7: {  	v0 =	vadd.f32 v2, v0  }
0xb8: {  	v63 =	vld [tilespmem:s12+$0x2600]  }
0xb9: {  	v0 =	vadd.f32 v3, v0;
	_ =	sdelay $0x1  }
0xba: {  	v0 =	vadd.f32 v62, v0;
	_ =	sdelay $0x1  }
0xbb: {  	v0 =	vadd.f32 v63, v0  }
0xbc: {  	s31 =	simm.s32 $0x10;
	s12 =	simm.s32 $0x2800  }
0xbd: {  	s14 =	sand.u32 $0x1F0, s31;
	s13 =	simm.s32 $0x20;
	[tilespmem:s12+$0x0] =	vst v0  }
.LBB2_4:
0xbe: {  	p0 =	sne.s32 s13, $0x1F0;
	v0 =	vld [tilespmem:s14+$0x1C00];
	_ =	sdelay $0x1  }
0xbf: {  	v1 =	vld [tilespmem:s14+$0x1E00];
	_ =	sdelay $0x1  }
0xc0: {  	v2 =	vld [tilespmem:s14+$0x2000]  }
0xc1: {  	v0 =	vadd.f32 $0.0e+00, v0  }
0xc2: {  	v3 =	vld [tilespmem:s14+$0x2200]  }
0xc3: {  	v0 =	vadd.f32 v1, v0  }
0xc4: {  	v1 =	vld [tilespmem:s14+$0x2400]  }
0xc5: {  	v0 =	vadd.f32 v2, v0  }
0xc6: {  	v2 =	vld [tilespmem:s14+$0x2600]  }
0xc7: {  	v0 =	vadd.f32 v3, v0;
	_ =	sdelay $0x1  }
.Ltmp1:
0xc8: {  	v0 =	vadd.f32 v1, v0;
	(pc) =	sbr.rel @p0 .LBB2_4-.Ltmp1, $4  }
0xc9: {  	_ = 	snop  }
0xca: {  	v0 =	vadd.f32 v2, v0  }
0xcb: {  	s12 =	sadd.s32 $0x10, s12  }
0xcc: {  	s14 =	sand.u32 $0x1F0, s13;
	s13 =	sadd.s32 $0x10, s13;
	[tilespmem:s12+$0x0] =	vst v0  }
0xcd: {  	v0 =	vld [tilespmem:s14+$0x1C00];
	_ =	sdelay $0x1  }
0xce: {  	v1 =	vld [tilespmem:s14+$0x1E00];
	_ =	sdelay $0x1  }
0xcf: {  	v2 =	vld [tilespmem:s14+$0x2000]  }
0xd0: {  	v0 =	vadd.f32 $0.0e+00, v0  }
0xd1: {  	v3 =	vld [tilespmem:s14+$0x2200]  }
0xd2: {  	v0 =	vadd.f32 v1, v0  }
0xd3: {  	v62 =	vld [tilespmem:s14+$0x2400]  }
0xd4: {  	v0 =	vadd.f32 v2, v0  }
0xd5: {  	v63 =	vld [tilespmem:s14+$0x2600]  }
0xd6: {  	v0 =	vadd.f32 v3, v0;
	_ =	sdelay $0x1  }
0xd7: {  	v0 =	vadd.f32 v62, v0;
	_ =	sdelay $0x1  }
0xd8: {  	s11 =	sadd.s32 $0x1, s11;
	v0 =	vadd.f32 v63, v0  }
0xd9: {  	s12 =	sadd.s32 $0x10, s12;
	p0 =	sne.s32 s11, s6  }
.Ltmp2:
0xda: {  	[tilespmem:s12+$0x0] =	vst v0;
	(pc) =	sbr.rel @p0 .LBB2_1-.Ltmp2, $4  }
0xdb: {  	[hbm4b:s5+s2] =	stream.linear.scatter [tilespmem:s10], [sflag:$0x2], $0x200, $0x38;
	[tilespmem:$0x2A00] =	vst v63  }
0xdc: {  	_ =	swait.ge [sflag:s7], $0x200  }
0xdd: {  	[sflag:s7] =	ssyncset.done $0x0  }
0xde: {  	[sflag:s7] =	ssyncadd.s32 $0xFFFFFE00  }
0xdf: {  	_ =	sfence.sel $0x180000  }
0xe0: {  	[bflag:$0x0] =	sbarrier.arrive $0xFFFF  }
0xe1: {  	p0 =	sne.s32 s1, $0x0;
	_ =	strace $0x9000004D  }
0xe2: {  	s0 =	sadd.s32 @!p0 $0x100000, s0;
	[bflag:$0x2] =	sbarrier.arrive $0xFFFF  }
0xe3: {  	[sflag:s0] =	ssyncadd.tile.s32 @!p0 $0x1;
	_ =	shalt  }
.Lfunc_end2:
_tile_overlayer_lowered:
.L_overlay_start_2:
0xe4: {  	(tag) =	ssettag $0x2  }
0xe5: {  	s0 =	rddreg [dreg:$0x0];
	s2 =	stileid.u32  }
0xe6: {  	s1 =	rddreg [dreg:$0x1];
	p0 =	sne.s32 s2, $0x0  }
0xe7: {  	s3 =	rddreg [dreg:$0x2];
	[bflag:$0x3] =	sbarrier.arrive $0xFFFF;
	s2 =	simm.s32 @!p0 $0x1C02  }
0xe8: {  	[timem:s3], [sflag:s2] =	dma.local @!p0 [hbm:s0], s1  }
0xe9: {  	s0 =	simm.s32 @!p0 $0x2  }
0xea: {  	_ =	swait.ge @!p0 [sflag:s0], s1  }
0xeb: {  	s1 =	ssub.s32 @!p0 $0x0, s1;
	[sflag:s0] =	ssyncset.done @!p0 $0x0  }
0xec: {  	[sflag:s0] =	ssyncadd.s32 @!p0 s1  }
0xed: {  	[bflag:$0x3] =	sbarrier.arrive $0xFFFF  }
0xee: {  	_ =	shalt  }

// kernel: kernel.16.cloned.1.call-start
scs
__scs_entry_jumppad:
0x0: {  	(pc) =	sbr.rel $0x88, $3  }
0x1: {  	(tag) =	ssettag $0x0;
	lr =	simm.s32 $0x1  }
0x2: {  	[smem:$0x3F9E] =	sst lr;
	_ =	strace $0xD0000000  }
0x3: {  	_ = 	snop  }
0x4: {  	_ = 	snop  }
0x5: {  	_ = 	snop  }
0x6: {  	_ = 	snop  }
0x7: {  	_ = 	snop  }
__scs_overlays_trampoline_lowered:
0x8: {  	[smem:$0x3FAD] =	sst s0  }
0x9: {  	[smem:$0x3FAE] =	sst s1  }
0xa: {  	[smem:$0x3FAF] =	sst s2  }
0xb: {  	[smem:$0x3FB0] =	sst s3  }
0xc: {  	[smem:$0x3FB1] =	sst s4  }
0xd: {  	[smem:$0x3FB2] =	sst s5  }
0xe: {  	[smem:$0x3FB3] =	sst s6  }
0xf: {  	[smem:$0x3FB4] =	sst s7  }
0x10: {  	[smem:$0x3FB5] =	sst s8  }
0x11: {  	[smem:$0x3FB6] =	sst s9;
	s0 =	simm.s32 @!p0 $0x0  }
0x12: {  	s1 =	sld [smem:$0x3F9C];
	s0 =	simm.s32 @p0 $0x1  }
0x13: {  	[smem:$0x3FB7] =	sst s0;
	s0 =	simm.s32 @!p1 $0x0  }
0x14: {  	s2 =	sld [smem:$0x3F9B];
	s0 =	simm.s32 @p1 $0x1  }
0x15: {  	[smem:$0x3FB8] =	sst s0;
	s0 =	simm.s32 @!p2 $0x0  }
0x16: {  	s3 =	sld [smem:$0x3FDB];
	s0 =	simm.s32 @p2 $0x1  }
0x17: {  	s4 =	simm.s32 $0x1BF5;
	[smem:$0x3FBA] =	sst s0  }
0x18: {  	s0 =	sld [smem:$0x3F9D];
	_ =	swait.ge [sflag:s4], $0x0  }
0x19: {  	s7 =	sld [smem:$0x3F9E]  }
0x1a: {  	s8 =	sadd.s32 $0xFFFFE003, lr  }
0x1b: {  	s9 =	sadd.s32 $0xFFFFFEF7, lr;
	s5 =	simm.s32 $0xFFFFFFFF;
	p2 =	slt.u32 s8, $0xFFFFF086  }
0x1c: {  	p1 =	slt.u32 s9, $0xF7A;
	s5 =	simm.s32 @!p2 $0x0  }
0x1d: {  	s5 =	simm.s32 @p1 $0x1;
	p0 =	seq.s32 s7, s2  }
0x1e: {  	s7 =	smul.u32 @!p0 $0xF7A, s2;
	p2 =	seq.s32 @!p0 s5, $0x0  }
0x1f: {  	s9 =	smul.u32 $0xF7A, s1;
	s8 =	simm.s32 @!p0 $0x1BF5;
	p2 =	por !p2, p0  }
0x20: {  	[sflag:s8] =	ssyncset.s32 @!p0 $0xFFFFF086;
	s6 =	sadd.s32 @!p0 s3, s7;
	s7 =	simm.s32 @!p0 $0x108  }
0x21: {  	s3 =	sadd.s32 s3, s9;
	s6 =	sadd.s32 @!p0 $0x88, s6;
	s7 =	simm.s32 @p2 $0x1082  }
0x22: {  	[simem:s7], [sflag:s8] =	dma.local @!p0 [hbm:s6], $0xF7A  }
0x23: {  	s9 =	sor.u32 $0xD0000000, s2;
	s6 =	simm.s32 $0x108;
	_ =	swait.ge @!p0 [sflag:s8], $0x0  }
0x24: {  	s3 =	sadd.s32 $0x88, s3;
	s6 =	simm.s32 @!p1 $0x1082;
	[sflag:s4] =	ssyncset.s32 $0xFFFFF086  }
0x25: {  	[simem:s6], [sflag:s4] =	dma.local [hbm:s3], $0xF7A  }
0x26: {  	[smem:$0x3F9E] =	sst s1;
	(tag) =	ssettag s2;
	_ =	strace s9  }
0x27: {  	s1 =	sld [smem:$0x3FAE]  }
0x28: {  	s2 =	sld [smem:$0x3FAF]  }
0x29: {  	s4 =	sld [smem:$0x3FB1]  }
0x2a: {  	p0 =	seq.s32 s5, $0x0;
	s5 =	sld [smem:$0x3FB2]  }
0x2b: {  	s6 =	sld [smem:$0x3FB3]  }
0x2c: {  	s7 =	sld [smem:$0x3FB4]  }
0x2d: {  	s3 =	simm.s32 $0x108;
	s8 =	sld [smem:$0x3FB5]  }
0x2e: {  	s3 =	simm.s32 @!p0 $0x1082;
	s9 =	sld [smem:$0x3FB6]  }
0x2f: {  	lr =	sadd.s32 s0, s3;
	s0 =	sld [smem:$0x3FAD]  }
0x30: {  	s3 =	sld [smem:$0x3FB0]  }
0x31: {  	[smem:$0x3FB9] =	sst s10  }
0x32: {  	s10 =	sld [smem:$0x3FB7];
	_ =	sdelay $0x3  }
0x33: {  	p0 =	seq.s32 s10, $0x1;
	s10 =	sld [smem:$0x3FB9];
	_ =	sdelay $0x3  }
0x34: {  	[smem:$0x3FB9] =	sst s10  }
0x35: {  	s10 =	sld [smem:$0x3FB8];
	_ =	sdelay $0x3  }
0x36: {  	p1 =	seq.s32 s10, $0x1;
	s10 =	sld [smem:$0x3FB9];
	_ =	sdelay $0x3  }
0x37: {  	[smem:$0x3FB9] =	sst s10  }
0x38: {  	s10 =	sld [smem:$0x3FBA]  }
0x39: {  	_ = 	snop;
	(pc) =	sbr.ind lr, $3  }
0x3a: {  	_ = 	snop  }
0x3b: {  	_ = 	snop  }
0x3c: {  	p2 =	seq.s32 s10, $0x1;
	s10 =	sld [smem:$0x3FB9]  }
0x3d: {  	_ =	shalt  }
0x3e: {  	_ =	shalt  }
0x3f: {  	_ =	shalt  }
0x40: {  	_ =	shalt  }
0x41: {  	_ =	shalt  }
0x42: {  	_ =	shalt  }
0x43: {  	_ =	shalt  }
0x44: {  	_ =	shalt  }
0x45: {  	_ =	shalt  }
0x46: {  	_ =	shalt  }
0x47: {  	_ =	shalt  }
0x48: {  	_ =	shalt  }
0x49: {  	_ =	shalt  }
0x4a: {  	_ =	shalt  }
0x4b: {  	_ =	shalt  }
0x4c: {  	_ =	shalt  }
0x4d: {  	_ =	shalt  }
0x4e: {  	_ =	shalt  }
0x4f: {  	_ =	shalt  }
0x50: {  	_ =	shalt  }
0x51: {  	_ =	shalt  }
0x52: {  	_ =	shalt  }
0x53: {  	_ =	shalt  }
0x54: {  	_ =	shalt  }
0x55: {  	_ =	shalt  }
0x56: {  	_ =	shalt  }
0x57: {  	_ =	shalt  }
0x58: {  	_ =	shalt  }
0x59: {  	_ =	shalt  }
0x5a: {  	_ =	shalt  }
0x5b: {  	_ =	shalt  }
0x5c: {  	_ =	shalt  }
0x5d: {  	_ =	shalt  }
0x5e: {  	_ =	shalt  }
0x5f: {  	_ =	shalt  }
0x60: {  	_ =	shalt  }
0x61: {  	_ =	shalt  }
0x62: {  	_ =	shalt  }
0x63: {  	_ =	shalt  }
0x64: {  	_ =	shalt  }
0x65: {  	_ =	shalt  }
0x66: {  	_ =	shalt  }
0x67: {  	_ =	shalt  }
0x68: {  	_ =	shalt  }
0x69: {  	_ =	shalt  }
0x6a: {  	_ =	shalt  }
0x6b: {  	_ =	shalt  }
0x6c: {  	_ =	shalt  }
0x6d: {  	_ =	shalt  }
0x6e: {  	_ =	shalt  }
0x6f: {  	_ =	shalt  }
0x70: {  	_ =	shalt  }
0x71: {  	_ =	shalt  }
0x72: {  	_ =	shalt  }
0x73: {  	_ =	shalt  }
0x74: {  	_ =	shalt  }
0x75: {  	_ =	shalt  }
0x76: {  	_ =	shalt  }
0x77: {  	_ =	shalt  }
0x78: {  	_ =	shalt  }
0x79: {  	_ =	shalt  }
0x7a: {  	_ =	shalt  }
0x7b: {  	_ =	shalt  }
0x7c: {  	_ =	shalt  }
0x7d: {  	_ =	shalt  }
0x7e: {  	_ =	shalt  }
0x7f: {  	_ =	shalt  }
0x80: {  	_ =	shalt  }
0x81: {  	_ =	shalt  }
0x82: {  	_ =	shalt  }
0x83: {  	_ =	shalt  }
0x84: {  	_ =	shalt  }
0x85: {  	_ =	shalt  }
0x86: {  	_ =	shalt  }
0x87: {  	_ =	shalt  }
.Lfunc_end0:
.L_simem_size_0:
called_computation.3_lowered:
.L_overlay_start_0:
0x88: {  	s2 =	sld [smem:$0x3FD9]  }
0x89: {  	s3 =	sld [smem:$0x3FFE];
	_ =	sdelay $0x1  }
0x8a: {  	s1 =	srdreg.scid  }
0x8b: {  	s0 =	sand.u32 $0x1, s1  }
0x8c: {  	s17 =	sshll.u32 s0, $0xA;
	s2 =	sadd.s32 s3, s2  }
0x8d: {  	s2 =	sadd.s32 s2, s17  }
0x8e: {  	[smem:$0x3FC5] =	sst s2  }
0x8f: {  	_ = 	snop  }
0x90: {  	s18 =	sld [smem:$0x3FD0];
	(tm) =	ssettm $0x1  }
0x91: {  	s19 =	sld [smem:$0x3FFB];
	_ =	sdelay $0x3  }
0x92: {  	_ =	strace s19  }
0x93: {  	s2 =	sld [smem:$0x3FFC];
	_ =	sdelay $0x3  }
0x94: {  	_ =	strace s2  }
0x95: {  	s2 =	sld [smem:$0x3FFD];
	_ =	sdelay $0x3  }
0x96: {  	_ =	strace s2  }
0x97: {  	_ =	strace $0x8FFFFFFF  }
0x98: {  	s20 =	sld [smem:$0x3FDB];
	_ =	sdelay $0x1  }
0x99: {  	s4 =	simm.s32 $_scs_section_size  }
0x9a: {  	s5 =	simm.s32 $_size__tile_overlayer_lowered;
	s6 =	simm.s32 $_tile_overlayer_lowered  }
0x9b: {  	s7 =	simm.s32 $0x1BFF;
	s21 =	sshll.u32 s6, $0x1;
	s4 =	sadd.s32 s4, s20  }
0x9c: {  	s22 =	simm.s32 $0x0;
	s5 =	sshll.u32 s5, $0x1;
	s6 =	sadd.s32 s21, s4  }
0x9d: {  	[timem:s22], [sflag:s7] =	dma.local [hbm:s6], s5  }
0x9e: {  	_ =	swait.ge [sflag:s7], s5  }
0x9f: {  	s5 =	ssub.s32 $0x0, s5;
	[sflag:s7] =	ssyncset.done $0x0  }
0xa0: {  	[sflag:s7] =	ssyncadd.s32 s5;
	_ =	sdelay $0x1  }
0xa1: {  	s23 =	simm.s32 $0x1B8B  }
0xa2: {  	_ =	swait.ge [sflag:s23], $0x1  }
0xa3: {  	[sflag:s23] =	ssyncset.done $0x0  }
0xa4: {  	[sflag:s23] =	ssyncadd.s32 $0xFFFFFFFF  }
0xa5: {  	s5 =	sld [smem:$0x0]  }
0xa6: {  	s6 =	sand.u32 $0xFFFFFFFE, s1  }
0xa7: {  	p0 =	sne.s32 s1, s6  }
0xa8: {  	s6 =	sshll.u32 @p0 s6, $0xE  }
0xa9: {  	s6 =	sadd.s32 @p0 $0x11B8D, s6;
	s7 =	sshll.u32 @p0 s5, $0x11  }
0xaa: {  	s6 =	sor.u32 @p0 s7, s6  }
0xab: {  	[sflag:s6] =	ssyncadd.remote.s32 @p0 $0x1;
	_ =	sdelay $0x1  }
0xac: {  	s6 =	simm.s32 @p0 $0x1B8D  }
0xad: {  	_ =	swait.eq @p0 [sflag:s6], $0x1  }
0xae: {  	[sflag:s6] =	ssyncadd.s32 @p0 $0xFFFFFFFF  }
0xaf: {  	s7 =	sshll.u32 @!p0 s1, $0xE  }
0xb0: {  	s7 =	sor.u32 @!p0 $0x4000, s7;
	s6 =	simm.s32 @!p0 $0x1B8D  }
0xb1: {  	s5 =	sshll.u32 @!p0 s5, $0x11;
	s7 =	sadd.s32 @!p0 $0x11B8D, s7;
	_ =	swait.eq @!p0 [sflag:s6], $0x1  }
0xb2: {  	s5 =	sor.u32 @!p0 s5, s7;
	[sflag:s6] =	ssyncadd.s32 @!p0 $0xFFFFFFFF  }
0xb3: {  	s25 =	simm.s32 $0x1B8E;
	s24 =	sld [smem:$0x3FFE];
	[sflag:s5] =	ssyncadd.remote.s32 @!p0 $0x1  }
0xb4: {  	s26 =	simm.s32 $execute0_lowered;
	[smem:$0x3FD2] =	sst s25  }
0xb5: {  	s6 =	sshll.u32 s26, $0x1;
	_ =	strace $0x8000004F;
	[dreg:$0x1] =	wrdreg $0xFFFFFFFF  }
0xb6: {  	s28 =	simm.s32 $_size_execute0_lowered;
	s4 =	sadd.s32 s4, s6;
	[dreg:$0x0] =	wrdreg $0x0  }
0xb7: {  	s6 =	sshll.u32 s28, $0x1;
	[dreg:$0x2] =	wrdreg s4  }
0xb8: {  	[dreg:$0x3] =	wrdreg s6  }
0xb9: {  	[dreg:$0x4] =	wrdreg $0xC0  }
0xba: {  	_ =	task [dreg:s22], $0x5FFFF  }
0xbb: {  	[dreg:$0x1] =	wrdreg $0xFFFFFFFF  }
0xbc: {  	[dreg:$0x0] =	wrdreg $0x60  }
0xbd: {  	[dreg:$0x2] =	wrdreg s24  }
0xbe: {  	[dreg:$0x3] =	wrdreg s18  }
0xbf: {  	[dreg:$0x4] =	wrdreg $0xC  }
0xc0: {  	_ =	task.clear_ibuf [dreg:s22], $0x5FFFF;
	_ =	strace $0x9000004F  }
0xc1: {  	s29 =	simm.s32 $0xC;
	_ =	strace $0x80000051  }
0xc2: {  	_ =	swait.ge [sflag:s29], $0x1  }
0xc3: {  	[sflag:s29] =	ssyncadd.s32 $0xFFFFFFFF  }
0xc4: {  	_ =	strace $0x90000051  }
0xc5: {  	_ =	sfence  }
0xc6: {  	s30 =	sld [smem:$0x0];
	_ =	sdelay $0x2  }
0xc7: {  	s31 =	sshll.u32 s1, $0xD;
	s1 =	sshrl.u32 s1, $0x2  }
0xc8: {  	s4 =	sand.u32 $0x4000, s31;
	s1 =	sadd.s32 s1, s30  }
0xc9: {  	s0 =	sor.u32 s4, s0;
	s1 =	sshll.u32 s1, $0x11  }
0xca: {  	s0 =	sor.u32 s1, s0  }
0xcb: {  	s0 =	sadd.s32 $0x8F2B, s0  }
0xcc: {  	[sflag:s0] =	ssyncadd.remote.s32 $0x1  }
0xcd: {  	_ =	sfence.sel $0xFFFF  }
0xce: {  	[dreg:$0x0] =	wrdreg $0xFFFFFFFF;
	(pc) =	sbr.abs _section_cstart, $3  }
0xcf: {  	[dreg:$0x1] =	wrdreg $0xFFFFFFFF  }
0xd0: {  	_ =	task.clear_ibuf [dreg:s22], $0x2FFFF;
	_ =	strace $0x9FFFFFFF  }
0xd1: {  	(tm) =	ssettm $0x7FFFFFFF  }
tec
execute0_lowered:
.L_overlay_start_1:
0x0: {  	(tag) =	ssettag $0x1  }
0x1: {  	s3 =	rddreg [dreg:$0x0]  }
0x2: {  	s5 =	rddreg [dreg:$0x1];
	s2 =	srdreg.scid  }
0x3: {  	s0 =	rddreg [dreg:$0x2];
	s1 =	stileid.u32  }
0x4: {  	s9 =	simm.s32 $0x1;
	s10 =	simm.s32 $0x2800;
	s11 =	simm.s32 $0x0  }
0x5: {  	s4 =	sand.u32 $0x1, s2;
	s2 =	simm.s32 $0x0;
	s6 =	sshll.u32 s1, $0xA  }
0x6: {  	s7 =	sshll.u32 s4, $0x9;
	[smem:$0x7FF] =	sst s2;
	s4 =	ssub.s32 $0x2, s4  }
0x7: {  	s6 =	sor.u32 s7, s6;
	_ =	strace $0x80000050;
	s8 =	sshrl.u32 s4, $0x1  }
0x8: {  	s7 =	sadd.s32 s6, s3;
	s3 =	sadd.s32 $0x275400, s3;
	s6 =	sshrl.u32 s6, $0x3  }
0x9: {  	s8 =	ssub.s32 s4, s8;
	s4 =	sadd.s32 $0x270C00, s7;
	s5 =	sadd.s32 s5, s6  }
0xa: {  	s6 =	smax.u32 s8, $0x1;
	s7 =	simm.s32 $0x2;
	s8 =	simm.s32 $0x80  }
.LBB2_1:
0xb: {  	[tilespmem:s2], [sflag:$0x2] =	stream.linear.gather [hbm4b:s4+s2], $0x1000, $0x38;
	[tilespmem:$0x2A00] =	vst v63  }
0xc: {  	s12 =	simm.s32 $0x0  }
0xd: {  	s13 =	smul.u32 $0xFFFFC200, s12  }
0xe: {  	_ =	swait.ge [sflag:s7], $0x1000  }
0xf: {  	[sflag:s7] =	ssyncset.done $0x0;
	s13 =	sshra.s32 s13, $0x2  }
0x10: {  	[sflag:s7] =	ssyncadd.s32 $0xFFFFF000;
	s13 =	sadd.s32 $0x0, s13  }
0x11: {  	v0 =	vld [tilespmem:s13+$0x0];
	_ =	sdelay $0x2  }
0x12: {  	s16 =	smul.u32 $0xF4240, s12;
	_ =	sdelay $0x1  }
0x13: {  	s14 =	simm.s32 $0x1000;
	v0 =	vadd.s32 s16, v0  }
0x14: {  	[tilespmem:s14+$0x0] =	vst v0  }
0x15: {  	v0 =	vld [tilespmem:s13+$0x10];
	_ =	sdelay $0x4  }
0x16: {  	v0 =	vadd.s32 s16, v0  }
0x17: {  	[tilespmem:s14+$0x10] =	vst v0  }
0x18: {  	v0 =	vld [tilespmem:s13+$0x20];
	_ =	sdelay $0x4  }
0x19: {  	v0 =	vadd.s32 s16, v0  }
0x1a: {  	[tilespmem:s14+$0x20] =	vst v0  }
0x1b: {  	v0 =	vld [tilespmem:s13+$0x30];
	_ =	sdelay $0x4  }
0x1c: {  	v0 =	vadd.s32 s16, v0  }
0x1d: {  	[tilespmem:s14+$0x30] =	vst v0  }
0x1e: {  	v0 =	vld [tilespmem:s13+$0x40];
	_ =	sdelay $0x4  }
0x1f: {  	v0 =	vadd.s32 s16, v0  }
0x20: {  	[tilespmem:s14+$0x40] =	vst v0  }
0x21: {  	v0 =	vld [tilespmem:s13+$0x50];
	_ =	sdelay $0x4  }
0x22: {  	v0 =	vadd.s32 s16, v0  }
0x23: {  	[tilespmem:s14+$0x50] =	vst v0  }
0x24: {  	v0 =	vld [tilespmem:s13+$0x60];
	_ =	sdelay $0x4  }
0x25: {  	v0 =	vadd.s32 s16, v0  }
0x26: {  	[tilespmem:s14+$0x60] =	vst v0  }
0x27: {  	v0 =	vld [tilespmem:s13+$0x70];
	_ =	sdelay $0x1  }
0x28: {  	s21 =	simm.s32 $0x0  }
0x29: {  	s20 =	simm.s32 $0x2000;
	s31 =	smul.u32 $0xFFFFC200, s21  }
0x2a: {  	s15 =	simm.s32 $0x1;
	s18 =	simm.s32 $0x400;
	s12 =	simm.s32 $0x1C00  }
0x2b: {  	s19 =	sshra.s32 s31, $0x2;
	s13 =	simm.s32 $0x1080;
	v0 =	vadd.s32 s16, v0;
	s16 =	simm.s32 $0x1C00  }
.LBB2_2:
0x2c: {  	s19 =	sadd.s32 s18, s19  }
0x2d: {  	[tilespmem:s14+$0x70] =	vst v0;
	s12 =	sadd.s32 $0x80, s12;
	s18 =	smov.u32 s20;
	s17 =	sadd.s32 $0x1000, s20  }
0x2e: {  	[tilespmem:s16], [sflag:$0x1] =	stream.indirect.gather [hbm4b:s3+s8], $0x1, s14, s8, $0xb8;
	[tilespmem:$0x2A00] =	vst v63  }
0x2f: {  	p0 =	sne.s32 s20, $0x17000;
	s16 =	smov.u32 s12;
	s14 =	smov.u32 s13;
	v0 =	vld [tilespmem:s19+$0x0]  }
0x30: {  	_ =	sdelay $0x1  }
0x31: {  	s20 =	smul.u32 $0xF4240, s21;
	_ =	sdelay $0x1  }
0x32: {  	v0 =	vadd.s32 s20, v0  }
0x33: {  	[tilespmem:s13+$0x0] =	vst v0  }
0x34: {  	v0 =	vld [tilespmem:s19+$0x10];
	_ =	sdelay $0x4  }
0x35: {  	v0 =	vadd.s32 s20, v0  }
0x36: {  	[tilespmem:s13+$0x10] =	vst v0  }
0x37: {  	v0 =	vld [tilespmem:s19+$0x20];
	_ =	sdelay $0x4  }
0x38: {  	v0 =	vadd.s32 s20, v0  }
0x39: {  	[tilespmem:s13+$0x20] =	vst v0  }
0x3a: {  	v0 =	vld [tilespmem:s19+$0x30];
	_ =	sdelay $0x4  }
0x3b: {  	v0 =	vadd.s32 s20, v0  }
0x3c: {  	[tilespmem:s13+$0x30] =	vst v0  }
0x3d: {  	v0 =	vld [tilespmem:s19+$0x40];
	_ =	sdelay $0x4  }
0x3e: {  	v0 =	vadd.s32 s20, v0  }
0x3f: {  	[tilespmem:s13+$0x40] =	vst v0  }
0x40: {  	v0 =	vld [tilespmem:s19+$0x50];
	_ =	sdelay $0x4  }
0x41: {  	v0 =	vadd.s32 s20, v0  }
0x42: {  	[tilespmem:s13+$0x50] =	vst v0  }
0x43: {  	v0 =	vld [tilespmem:s19+$0x60];
	_ =	sdelay $0x4  }
0x44: {  	v0 =	vadd.s32 s20, v0  }
0x45: {  	[tilespmem:s13+$0x60] =	vst v0  }
0x46: {  	v0 =	vld [tilespmem:s19+$0x70]  }
.Ltmp0:
0x47: {  	s15 =	sadd.s32 $0x1, s15;
	(pc) =	sbr.rel @p0 .LBB2_2-.Ltmp0, $4  }
0x48: {  	s21 =	sshrl.u32 s15, $0x2  }
0x49: {  	s19 =	smul.u32 $0xFFFFC200, s21  }
0x4a: {  	s18 =	sshra.s32 s18, $0x2  }
0x4b: {  	s13 =	sadd.s32 $0x80, s13;
	s19 =	sshra.s32 s19, $0x2;
	v0 =	vadd.s32 s20, v0;
	s20 =	smov.u32 s17  }
0x4c: {  	s15 =	sadd.s32 s18, s19;
	[tilespmem:s14+$0x70] =	vst v0  }
0x4d: {  	[tilespmem:s16], [sflag:$0x1] =	stream.indirect.gather [hbm4b:s3+s8], $0x1, s14, s8, $0xb8;
	[tilespmem:$0x2A00] =	vst v63  }
0x4e: {  	v0 =	vld [tilespmem:s15+$0x0];
	_ =	sdelay $0x2  }
0x4f: {  	s29 =	smul.u32 $0xF4240, s21;
	_ =	sdelay $0x1  }
0x50: {  	v0 =	vadd.s32 s29, v0  }
0x51: {  	[tilespmem:s13+$0x0] =	vst v0  }
0x52: {  	v0 =	vld [tilespmem:s15+$0x10];
	_ =	sdelay $0x4  }
0x53: {  	v0 =	vadd.s32 s29, v0  }
0x54: {  	[tilespmem:s13+$0x10] =	vst v0  }
0x55: {  	v0 =	vld [tilespmem:s15+$0x20];
	_ =	sdelay $0x4  }
0x56: {  	v0 =	vadd.s32 s29, v0  }
0x57: {  	[tilespmem:s13+$0x20] =	vst v0  }
0x58: {  	v0 =	vld [tilespmem:s15+$0x30];
	_ =	sdelay $0x4  }
0x59: {  	v0 =	vadd.s32 s29, v0  }
0x5a: {  	[tilespmem:s13+$0x30] =	vst v0  }
0x5b: {  	v0 =	vld [tilespmem:s15+$0x40];
	_ =	sdelay $0x4  }
0x5c: {  	v0 =	vadd.s32 s29, v0  }
0x5d: {  	[tilespmem:s13+$0x40] =	vst v0  }
0x5e: {  	v0 =	vld [tilespmem:s15+$0x50];
	_ =	sdelay $0x4  }
0x5f: {  	v0 =	vadd.s32 s29, v0  }
0x60: {  	[tilespmem:s13+$0x50] =	vst v0  }
0x61: {  	v0 =	vld [tilespmem:s15+$0x60];
	_ =	sdelay $0x4  }
0x62: {  	v0 =	vadd.s32 s29, v0  }
0x63: {  	[tilespmem:s13+$0x60] =	vst v0  }
0x64: {  	v0 =	vld [tilespmem:s15+$0x70];
	_ =	sdelay $0x4  }
0x65: {  	v0 =	vadd.s32 s29, v0  }
0x66: {  	s12 =	sadd.s32 $0x80, s12;
	[tilespmem:s13+$0x70] =	vst v0  }
0x67: {  	[tilespmem:s12], [sflag:$0x1] =	stream.indirect.gather [hbm4b:s3+s8], $0x1, s13, s8, $0xb8;
	[tilespmem:$0x2A00] =	vst v63  }
0x68: {  	_ =	swait.ge [sflag:s9], $0x80  }
0x69: {  	[sflag:s9] =	ssyncset.done $0x0  }
0x6a: {  	[sflag:s9] =	ssyncadd.s32 $0xFFFFFF80  }
0x6b: {  	_ =	swait.ge [sflag:s9], $0x80  }
0x6c: {  	[sflag:s9] =	ssyncset.done $0x0  }
0x6d: {  	[sflag:s9] =	ssyncadd.s32 $0xFFFFFF80  }
0x6e: {  	_ =	swait.ge [sflag:s9], $0x80  }
0x6f: {  	[sflag:s9] =	ssyncset.done $0x0  }
0x70: {  	[sflag:s9] =	ssyncadd.s32 $0xFFFFFF80  }
0x71: {  	_ =	swait.ge [sflag:s9], $0x80  }
0x72: {  	[sflag:s9] =	ssyncset.done $0x0  }
0x73: {  	[sflag:s9] =	ssyncadd.s32 $0xFFFFFF80  }
0x74: {  	_ =	swait.ge [sflag:s9], $0x80  }
0x75: {  	[sflag:s9] =	ssyncset.done $0x0  }
0x76: {  	[sflag:s9] =	ssyncadd.s32 $0xFFFFFF80  }
0x77: {  	_ =	swait.ge [sflag:s9], $0x80  }
0x78: {  	[sflag:s9] =	ssyncset.done $0x0  }
0x79: {  	[sflag:s9] =	ssyncadd.s32 $0xFFFFFF80  }
0x7a: {  	_ =	swait.ge [sflag:s9], $0x80  }
0x7b: {  	[sflag:s9] =	ssyncset.done $0x0  }
0x7c: {  	[sflag:s9] =	ssyncadd.s32 $0xFFFFFF80  }
0x7d: {  	_ =	swait.ge [sflag:s9], $0x80  }
0x7e: {  	[sflag:s9] =	ssyncset.done $0x0  }
0x7f: {  	[sflag:s9] =	ssyncadd.s32 $0xFFFFFF80  }
0x80: {  	_ =	swait.ge [sflag:s9], $0x80  }
0x81: {  	[sflag:s9] =	ssyncset.done $0x0  }
0x82: {  	[sflag:s9] =	ssyncadd.s32 $0xFFFFFF80  }
0x83: {  	_ =	swait.ge [sflag:s9], $0x80  }
0x84: {  	[sflag:s9] =	ssyncset.done $0x0  }
0x85: {  	[sflag:s9] =	ssyncadd.s32 $0xFFFFFF80  }
0x86: {  	_ =	swait.ge [sflag:s9], $0x80  }
0x87: {  	[sflag:s9] =	ssyncset.done $0x0  }
0x88: {  	[sflag:s9] =	ssyncadd.s32 $0xFFFFFF80  }
0x89: {  	_ =	swait.ge [sflag:s9], $0x80  }
0x8a: {  	[sflag:s9] =	ssyncset.done $0x0  }
0x8b: {  	[sflag:s9] =	ssyncadd.s32 $0xFFFFFF80  }
0x8c: {  	_ =	swait.ge [sflag:s9], $0x80  }
0x8d: {  	[sflag:s9] =	ssyncset.done $0x0  }
0x8e: {  	[sflag:s9] =	ssyncadd.s32 $0xFFFFFF80  }
0x8f: {  	_ =	swait.ge [sflag:s9], $0x80  }
0x90: {  	[sflag:s9] =	ssyncset.done $0x0  }
0x91: {  	[sflag:s9] =	ssyncadd.s32 $0xFFFFFF80  }
0x92: {  	_ =	swait.ge [sflag:s9], $0x80  }
0x93: {  	[sflag:s9] =	ssyncset.done $0x0  }
0x94: {  	[sflag:s9] =	ssyncadd.s32 $0xFFFFFF80  }
0x95: {  	_ =	swait.ge [sflag:s9], $0x80  }
0x96: {  	[sflag:s9] =	ssyncset.done $0x0  }
0x97: {  	[sflag:s9] =	ssyncadd.s32 $0xFFFFFF80  }
0x98: {  	_ =	swait.ge [sflag:s9], $0x80  }
0x99: {  	[sflag:s9] =	ssyncset.done $0x0  }
0x9a: {  	[sflag:s9] =	ssyncadd.s32 $0xFFFFFF80  }
0x9b: {  	_ =	swait.ge [sflag:s9], $0x80  }
0x9c: {  	[sflag:s9] =	ssyncset.done $0x0  }
0x9d: {  	[sflag:s9] =	ssyncadd.s32 $0xFFFFFF80  }
0x9e: {  	_ =	swait.ge [sflag:s9], $0x80  }
0x9f: {  	[sflag:s9] =	ssyncset.done $0x0  }
0xa0: {  	[sflag:s9] =	ssyncadd.s32 $0xFFFFFF80  }
0xa1: {  	_ =	swait.ge [sflag:s9], $0x80  }
0xa2: {  	[sflag:s9] =	ssyncset.done $0x0  }
0xa3: {  	[sflag:s9] =	ssyncadd.s32 $0xFFFFFF80  }
0xa4: {  	_ =	swait.ge [sflag:s9], $0x80  }
0xa5: {  	[sflag:s9] =	ssyncset.done $0x0  }
0xa6: {  	[sflag:s9] =	ssyncadd.s32 $0xFFFFFF80  }
0xa7: {  	_ =	swait.ge [sflag:s9], $0x80  }
0xa8: {  	[sflag:s9] =	ssyncset.done $0x0  }
0xa9: {  	[sflag:s9] =	ssyncadd.s32 $0xFFFFFF80  }
0xaa: {  	_ =	swait.ge [sflag:s9], $0x80  }
0xab: {  	[sflag:s9] =	ssyncset.done $0x0  }
0xac: {  	[sflag:s9] =	ssyncadd.s32 $0xFFFFFF80  }
0xad: {  	_ =	swait.ge [sflag:s9], $0x80  }
0xae: {  	s30 =	simm.s32 $0x0;
	[sflag:s9] =	ssyncset.done $0x0  }
0xaf: {  	s12 =	sand.u32 $0x1F0, s30;
	[sflag:s9] =	ssyncadd.s32 $0xFFFFFF80  }
0xb0: {  	v61 =	vld [tilespmem:s12+$0x1C00];
	_ =	sdelay $0x1  }
0xb1: {  	v1 =	vld [tilespmem:s12+$0x1E00];
	_ =	sdelay $0x1  }
0xb2: {  	v2 =	vld [tilespmem:s12+$0x2000]  }
0xb3: {  	v0 =	vadd.f32 $0.0e+00, v61  }
0xb4: {  	v3 =	vld [tilespmem:s12+$0x2200]  }
0xb5: {  	v0 =	vadd.f32 v1, v0  }
0xb6: {  	v62 =	vld [tilespmem:s12+$0x2400]  }
0xb7: {  	v0 =	vadd.f32 v2, v0  }
0xb8: {  	v63 =	vld [tilespmem:s12+$0x2600]  }
0xb9: {  	v0 =	vadd.f32 v3, v0;
	_ =	sdelay $0x1  }
0xba: {  	v0 =	vadd.f32 v62, v0;
	_ =	sdelay $0x1  }
0xbb: {  	v0 =	vadd.f32 v63, v0  }
0xbc: {  	s31 =	simm.s32 $0x10;
	s12 =	simm.s32 $0x2800  }
0xbd: {  	s14 =	sand.u32 $0x1F0, s31;
	s13 =	simm.s32 $0x20;
	[tilespmem:s12+$0x0] =	vst v0  }
.LBB2_4:
0xbe: {  	p0 =	sne.s32 s13, $0x1F0;
	v0 =	vld [tilespmem:s14+$0x1C00];
	_ =	sdelay $0x1  }
0xbf: {  	v1 =	vld [tilespmem:s14+$0x1E00];
	_ =	sdelay $0x1  }
0xc0: {  	v2 =	vld [tilespmem:s14+$0x2000]  }
0xc1: {  	v0 =	vadd.f32 $0.0e+00, v0  }
0xc2: {  	v3 =	vld [tilespmem:s14+$0x2200]  }
0xc3: {  	v0 =	vadd.f32 v1, v0  }
0xc4: {  	v1 =	vld [tilespmem:s14+$0x2400]  }
0xc5: {  	v0 =	vadd.f32 v2, v0  }
0xc6: {  	v2 =	vld [tilespmem:s14+$0x2600]  }
0xc7: {  	v0 =	vadd.f32 v3, v0;
	_ =	sdelay $0x1  }
.Ltmp1:
0xc8: {  	v0 =	vadd.f32 v1, v0;
	(pc) =	sbr.rel @p0 .LBB2_4-.Ltmp1, $4  }
0xc9: {  	_ = 	snop  }
0xca: {  	v0 =	vadd.f32 v2, v0  }
0xcb: {  	s12 =	sadd.s32 $0x10, s12  }
0xcc: {  	s14 =	sand.u32 $0x1F0, s13;
	s13 =	sadd.s32 $0x10, s13;
	[tilespmem:s12+$0x0] =	vst v0  }
0xcd: {  	v0 =	vld [tilespmem:s14+$0x1C00];
	_ =	sdelay $0x1  }
0xce: {  	v1 =	vld [tilespmem:s14+$0x1E00];
	_ =	sdelay $0x1  }
0xcf: {  	v2 =	vld [tilespmem:s14+$0x2000]  }
0xd0: {  	v0 =	vadd.f32 $0.0e+00, v0  }
0xd1: {  	v3 =	vld [tilespmem:s14+$0x2200]  }
0xd2: {  	v0 =	vadd.f32 v1, v0  }
0xd3: {  	v62 =	vld [tilespmem:s14+$0x2400]  }
0xd4: {  	v0 =	vadd.f32 v2, v0  }
0xd5: {  	v63 =	vld [tilespmem:s14+$0x2600]  }
0xd6: {  	v0 =	vadd.f32 v3, v0;
	_ =	sdelay $0x1  }
0xd7: {  	v0 =	vadd.f32 v62, v0;
	_ =	sdelay $0x1  }
0xd8: {  	s11 =	sadd.s32 $0x1, s11;
	v0 =	vadd.f32 v63, v0  }
0xd9: {  	s12 =	sadd.s32 $0x10, s12;
	p0 =	sne.s32 s11, s6  }
.Ltmp2:
0xda: {  	[tilespmem:s12+$0x0] =	vst v0;
	(pc) =	sbr.rel @p0 .LBB2_1-.Ltmp2, $4  }
0xdb: {  	[hbm4b:s5+s2] =	stream.linear.scatter [tilespmem:s10], [sflag:$0x2], $0x200, $0x38;
	[tilespmem:$0x2A00] =	vst v63  }
0xdc: {  	_ =	swait.ge [sflag:s7], $0x200  }
0xdd: {  	[sflag:s7] =	ssyncset.done $0x0  }
0xde: {  	[sflag:s7] =	ssyncadd.s32 $0xFFFFFE00  }
0xdf: {  	_ =	sfence.sel $0x180000  }
0xe0: {  	[bflag:$0x0] =	sbarrier.arrive $0xFFFF  }
0xe1: {  	p0 =	sne.s32 s1, $0x0;
	_ =	strace $0x90000050  }
0xe2: {  	s0 =	sadd.s32 @!p0 $0x100000, s0;
	[bflag:$0x2] =	sbarrier.arrive $0xFFFF  }
0xe3: {  	[sflag:s0] =	ssyncadd.tile.s32 @!p0 $0x1;
	_ =	shalt  }
.Lfunc_end2:
_tile_overlayer_lowered:
.L_overlay_start_2:
0xe4: {  	(tag) =	ssettag $0x2  }
0xe5: {  	s0 =	rddreg [dreg:$0x0];
	s2 =	stileid.u32  }
0xe6: {  	s1 =	rddreg [dreg:$0x1];
	p0 =	sne.s32 s2, $0x0  }
0xe7: {  	s3 =	rddreg [dreg:$0x2];
	[bflag:$0x3] =	sbarrier.arrive $0xFFFF;
	s2 =	simm.s32 @!p0 $0x1C02  }
0xe8: {  	[timem:s3], [sflag:s2] =	dma.local @!p0 [hbm:s0], s1  }
0xe9: {  	s0 =	simm.s32 @!p0 $0x2  }
0xea: {  	_ =	swait.ge @!p0 [sflag:s0], s1  }
0xeb: {  	s1 =	ssub.s32 @!p0 $0x0, s1;
	[sflag:s0] =	ssyncset.done @!p0 $0x0  }
0xec: {  	[sflag:s0] =	ssyncadd.s32 @!p0 s1  }
0xed: {  	[bflag:$0x3] =	sbarrier.arrive $0xFFFF  }
0xee: {  	_ =	shalt  }

// kernel: kernel.7.cloned.1.call-start
scs
__scs_entry_jumppad:
0x0: {  	(pc) =	sbr.rel $0x88, $3  }
0x1: {  	(tag) =	ssettag $0x0;
	lr =	simm.s32 $0x1  }
0x2: {  	[smem:$0x3F9E] =	sst lr;
	_ =	strace $0xD0000000  }
0x3: {  	_ = 	snop  }
0x4: {  	_ = 	snop  }
0x5: {  	_ = 	snop  }
0x6: {  	_ = 	snop  }
0x7: {  	_ = 	snop  }
__scs_overlays_trampoline_lowered:
0x8: {  	[smem:$0x3FAD] =	sst s0  }
0x9: {  	[smem:$0x3FAE] =	sst s1  }
0xa: {  	[smem:$0x3FAF] =	sst s2  }
0xb: {  	[smem:$0x3FB0] =	sst s3  }
0xc: {  	[smem:$0x3FB1] =	sst s4  }
0xd: {  	[smem:$0x3FB2] =	sst s5  }
0xe: {  	[smem:$0x3FB3] =	sst s6  }
0xf: {  	[smem:$0x3FB4] =	sst s7  }
0x10: {  	[smem:$0x3FB5] =	sst s8  }
0x11: {  	[smem:$0x3FB6] =	sst s9;
	s0 =	simm.s32 @!p0 $0x0  }
0x12: {  	s1 =	sld [smem:$0x3F9C];
	s0 =	simm.s32 @p0 $0x1  }
0x13: {  	[smem:$0x3FB7] =	sst s0;
	s0 =	simm.s32 @!p1 $0x0  }
0x14: {  	s2 =	sld [smem:$0x3F9B];
	s0 =	simm.s32 @p1 $0x1  }
0x15: {  	[smem:$0x3FB8] =	sst s0;
	s0 =	simm.s32 @!p2 $0x0  }
0x16: {  	s3 =	sld [smem:$0x3FDB];
	s0 =	simm.s32 @p2 $0x1  }
0x17: {  	s4 =	simm.s32 $0x1BF5;
	[smem:$0x3FBA] =	sst s0  }
0x18: {  	s0 =	sld [smem:$0x3F9D];
	_ =	swait.ge [sflag:s4], $0x0  }
0x19: {  	s7 =	sld [smem:$0x3F9E]  }
0x1a: {  	s8 =	sadd.s32 $0xFFFFE003, lr  }
0x1b: {  	s9 =	sadd.s32 $0xFFFFFEF7, lr;
	s5 =	simm.s32 $0xFFFFFFFF;
	p2 =	slt.u32 s8, $0xFFFFF086  }
0x1c: {  	p1 =	slt.u32 s9, $0xF7A;
	s5 =	simm.s32 @!p2 $0x0  }
0x1d: {  	s5 =	simm.s32 @p1 $0x1;
	p0 =	seq.s32 s7, s2  }
0x1e: {  	s7 =	smul.u32 @!p0 $0xF7A, s2;
	p2 =	seq.s32 @!p0 s5, $0x0  }
0x1f: {  	s9 =	smul.u32 $0xF7A, s1;
	s8 =	simm.s32 @!p0 $0x1BF5;
	p2 =	por !p2, p0  }
0x20: {  	[sflag:s8] =	ssyncset.s32 @!p0 $0xFFFFF086;
	s6 =	sadd.s32 @!p0 s3, s7;
	s7 =	simm.s32 @!p0 $0x108  }
0x21: {  	s3 =	sadd.s32 s3, s9;
	s6 =	sadd.s32 @!p0 $0x88, s6;
	s7 =	simm.s32 @p2 $0x1082  }
0x22: {  	[simem:s7], [sflag:s8] =	dma.local @!p0 [hbm:s6], $0xF7A  }
0x23: {  	s9 =	sor.u32 $0xD0000000, s2;
	s6 =	simm.s32 $0x108;
	_ =	swait.ge @!p0 [sflag:s8], $0x0  }
0x24: {  	s3 =	sadd.s32 $0x88, s3;
	s6 =	simm.s32 @!p1 $0x1082;
	[sflag:s4] =	ssyncset.s32 $0xFFFFF086  }
0x25: {  	[simem:s6], [sflag:s4] =	dma.local [hbm:s3], $0xF7A  }
0x26: {  	[smem:$0x3F9E] =	sst s1;
	(tag) =	ssettag s2;
	_ =	strace s9  }
0x27: {  	s1 =	sld [smem:$0x3FAE]  }
0x28: {  	s2 =	sld [smem:$0x3FAF]  }
0x29: {  	s4 =	sld [smem:$0x3FB1]  }
0x2a: {  	p0 =	seq.s32 s5, $0x0;
	s5 =	sld [smem:$0x3FB2]  }
0x2b: {  	s6 =	sld [smem:$0x3FB3]  }
0x2c: {  	s7 =	sld [smem:$0x3FB4]  }
0x2d: {  	s3 =	simm.s32 $0x108;
	s8 =	sld [smem:$0x3FB5]  }
0x2e: {  	s3 =	simm.s32 @!p0 $0x1082;
	s9 =	sld [smem:$0x3FB6]  }
0x2f: {  	lr =	sadd.s32 s0, s3;
	s0 =	sld [smem:$0x3FAD]  }
0x30: {  	s3 =	sld [smem:$0x3FB0]  }
0x31: {  	[smem:$0x3FB9] =	sst s10  }
0x32: {  	s10 =	sld [smem:$0x3FB7];
	_ =	sdelay $0x3  }
0x33: {  	p0 =	seq.s32 s10, $0x1;
	s10 =	sld [smem:$0x3FB9];
	_ =	sdelay $0x3  }
0x34: {  	[smem:$0x3FB9] =	sst s10  }
0x35: {  	s10 =	sld [smem:$0x3FB8];
	_ =	sdelay $0x3  }
0x36: {  	p1 =	seq.s32 s10, $0x1;
	s10 =	sld [smem:$0x3FB9];
	_ =	sdelay $0x3  }
0x37: {  	[smem:$0x3FB9] =	sst s10  }
0x38: {  	s10 =	sld [smem:$0x3FBA]  }
0x39: {  	_ = 	snop;
	(pc) =	sbr.ind lr, $3  }
0x3a: {  	_ = 	snop  }
0x3b: {  	_ = 	snop  }
0x3c: {  	p2 =	seq.s32 s10, $0x1;
	s10 =	sld [smem:$0x3FB9]  }
0x3d: {  	_ =	shalt  }
0x3e: {  	_ =	shalt  }
0x3f: {  	_ =	shalt  }
0x40: {  	_ =	shalt  }
0x41: {  	_ =	shalt  }
0x42: {  	_ =	shalt  }
0x43: {  	_ =	shalt  }
0x44: {  	_ =	shalt  }
0x45: {  	_ =	shalt  }
0x46: {  	_ =	shalt  }
0x47: {  	_ =	shalt  }
0x48: {  	_ =	shalt  }
0x49: {  	_ =	shalt  }
0x4a: {  	_ =	shalt  }
0x4b: {  	_ =	shalt  }
0x4c: {  	_ =	shalt  }
0x4d: {  	_ =	shalt  }
0x4e: {  	_ =	shalt  }
0x4f: {  	_ =	shalt  }
0x50: {  	_ =	shalt  }
0x51: {  	_ =	shalt  }
0x52: {  	_ =	shalt  }
0x53: {  	_ =	shalt  }
0x54: {  	_ =	shalt  }
0x55: {  	_ =	shalt  }
0x56: {  	_ =	shalt  }
0x57: {  	_ =	shalt  }
0x58: {  	_ =	shalt  }
0x59: {  	_ =	shalt  }
0x5a: {  	_ =	shalt  }
0x5b: {  	_ =	shalt  }
0x5c: {  	_ =	shalt  }
0x5d: {  	_ =	shalt  }
0x5e: {  	_ =	shalt  }
0x5f: {  	_ =	shalt  }
0x60: {  	_ =	shalt  }
0x61: {  	_ =	shalt  }
0x62: {  	_ =	shalt  }
0x63: {  	_ =	shalt  }
0x64: {  	_ =	shalt  }
0x65: {  	_ =	shalt  }
0x66: {  	_ =	shalt  }
0x67: {  	_ =	shalt  }
0x68: {  	_ =	shalt  }
0x69: {  	_ =	shalt  }
0x6a: {  	_ =	shalt  }
0x6b: {  	_ =	shalt  }
0x6c: {  	_ =	shalt  }
0x6d: {  	_ =	shalt  }
0x6e: {  	_ =	shalt  }
0x6f: {  	_ =	shalt  }
0x70: {  	_ =	shalt  }
0x71: {  	_ =	shalt  }
0x72: {  	_ =	shalt  }
0x73: {  	_ =	shalt  }
0x74: {  	_ =	shalt  }
0x75: {  	_ =	shalt  }
0x76: {  	_ =	shalt  }
0x77: {  	_ =	shalt  }
0x78: {  	_ =	shalt  }
0x79: {  	_ =	shalt  }
0x7a: {  	_ =	shalt  }
0x7b: {  	_ =	shalt  }
0x7c: {  	_ =	shalt  }
0x7d: {  	_ =	shalt  }
0x7e: {  	_ =	shalt  }
0x7f: {  	_ =	shalt  }
0x80: {  	_ =	shalt  }
0x81: {  	_ =	shalt  }
0x82: {  	_ =	shalt  }
0x83: {  	_ =	shalt  }
0x84: {  	_ =	shalt  }
0x85: {  	_ =	shalt  }
0x86: {  	_ =	shalt  }
0x87: {  	_ =	shalt  }
.Lfunc_end0:
.L_simem_size_0:
called_computation_lowered:
.L_overlay_start_0:
0x88: {  	s2 =	sld [smem:$0x3FD9]  }
0x89: {  	s3 =	sld [smem:$0x3FFE];
	_ =	sdelay $0x1  }
0x8a: {  	s1 =	srdreg.scid  }
0x8b: {  	s0 =	sand.u32 $0x1, s1  }
0x8c: {  	s17 =	sshll.u32 s0, $0xA;
	s2 =	sadd.s32 s3, s2  }
0x8d: {  	s2 =	sadd.s32 s2, s17  }
0x8e: {  	[smem:$0x3FC5] =	sst s2  }
0x8f: {  	_ = 	snop  }
0x90: {  	(tm) =	ssettm $0x1  }
0x91: {  	s18 =	sld [smem:$0x3FFB];
	_ =	sdelay $0x3  }
0x92: {  	_ =	strace s18  }
0x93: {  	s2 =	sld [smem:$0x3FFC];
	_ =	sdelay $0x3  }
0x94: {  	_ =	strace s2  }
0x95: {  	s2 =	sld [smem:$0x3FFD];
	_ =	sdelay $0x3  }
0x96: {  	_ =	strace s2  }
0x97: {  	_ =	strace $0x8FFFFFFF  }
0x98: {  	s19 =	sld [smem:$0x3FDB];
	_ =	sdelay $0x1  }
0x99: {  	s20 =	simm.s32 $_scs_section_size  }
0x9a: {  	s4 =	simm.s32 $_size__tile_overlayer_lowered;
	s5 =	simm.s32 $_tile_overlayer_lowered  }
0x9b: {  	s6 =	simm.s32 $0x1BFF;
	s21 =	sshll.u32 s5, $0x1;
	s3 =	sadd.s32 s20, s19  }
0x9c: {  	s22 =	simm.s32 $0x0;
	s4 =	sshll.u32 s4, $0x1;
	s5 =	sadd.s32 s21, s3  }
0x9d: {  	[timem:s22], [sflag:s6] =	dma.local [hbm:s5], s4  }
0x9e: {  	_ =	swait.ge [sflag:s6], s4  }
0x9f: {  	s4 =	ssub.s32 $0x0, s4;
	[sflag:s6] =	ssyncset.done $0x0  }
0xa0: {  	[sflag:s6] =	ssyncadd.s32 s4;
	_ =	sdelay $0x1  }
0xa1: {  	s23 =	simm.s32 $0x1B8B  }
0xa2: {  	_ =	swait.ge [sflag:s23], $0x1  }
0xa3: {  	[sflag:s23] =	ssyncset.done $0x0  }
0xa4: {  	[sflag:s23] =	ssyncadd.s32 $0xFFFFFFFF  }
0xa5: {  	s4 =	sld [smem:$0x0]  }
0xa6: {  	s5 =	sand.u32 $0xFFFFFFFE, s1  }
0xa7: {  	p0 =	sne.s32 s1, s5  }
0xa8: {  	s5 =	sshll.u32 @p0 s5, $0xE  }
0xa9: {  	s5 =	sadd.s32 @p0 $0x11B8D, s5;
	s6 =	sshll.u32 @p0 s4, $0x11  }
0xaa: {  	s5 =	sor.u32 @p0 s6, s5  }
0xab: {  	[sflag:s5] =	ssyncadd.remote.s32 @p0 $0x1;
	_ =	sdelay $0x1  }
0xac: {  	s5 =	simm.s32 @p0 $0x1B8D  }
0xad: {  	_ =	swait.eq @p0 [sflag:s5], $0x1  }
0xae: {  	[sflag:s5] =	ssyncadd.s32 @p0 $0xFFFFFFFF  }
0xaf: {  	s6 =	sshll.u32 @!p0 s1, $0xE  }
0xb0: {  	s6 =	sor.u32 @!p0 $0x4000, s6;
	s5 =	simm.s32 @!p0 $0x1B8D  }
0xb1: {  	s4 =	sshll.u32 @!p0 s4, $0x11;
	s6 =	sadd.s32 @!p0 $0x11B8D, s6;
	_ =	swait.eq @!p0 [sflag:s5], $0x1  }
0xb2: {  	s4 =	sor.u32 @!p0 s4, s6;
	[sflag:s5] =	ssyncadd.s32 @!p0 $0xFFFFFFFF  }
0xb3: {  	s25 =	simm.s32 $0x1B8E;
	s24 =	sld [smem:$0x3FFE];
	[sflag:s4] =	ssyncadd.remote.s32 @!p0 $0x1  }
0xb4: {  	s26 =	simm.s32 $execute0_lowered;
	[smem:$0x3FD2] =	sst s25  }
0xb5: {  	s5 =	sshll.u32 s26, $0x1;
	_ =	strace $0x80000049;
	[dreg:$0x1] =	wrdreg $0xFFFFFFFF  }
0xb6: {  	s28 =	simm.s32 $_size_execute0_lowered;
	s3 =	sadd.s32 s3, s5;
	[dreg:$0x0] =	wrdreg $0x0  }
0xb7: {  	s5 =	sshll.u32 s28, $0x1;
	[dreg:$0x2] =	wrdreg s3  }
0xb8: {  	[dreg:$0x3] =	wrdreg s5  }
0xb9: {  	[dreg:$0x4] =	wrdreg $0xC0  }
0xba: {  	_ =	task [dreg:s22], $0x5FFFF  }
0xbb: {  	[dreg:$0x1] =	wrdreg $0xFFFFFFFF  }
0xbc: {  	[dreg:$0x0] =	wrdreg $0x60  }
0xbd: {  	[dreg:$0x2] =	wrdreg s24  }
0xbe: {  	[dreg:$0x3] =	wrdreg $0x9  }
0xbf: {  	_ =	task.clear_ibuf [dreg:s22], $0x4FFFF;
	_ =	strace $0x90000049  }
0xc0: {  	s29 =	simm.s32 $0x9;
	_ =	strace $0x8000004B  }
0xc1: {  	_ =	swait.ge [sflag:s29], $0x1  }
0xc2: {  	[sflag:s29] =	ssyncadd.s32 $0xFFFFFFFF  }
0xc3: {  	_ =	strace $0x9000004B  }
0xc4: {  	_ =	sfence  }
0xc5: {  	s30 =	sld [smem:$0x0];
	_ =	sdelay $0x2  }
0xc6: {  	s31 =	sshll.u32 s1, $0xD;
	s1 =	sshrl.u32 s1, $0x2  }
0xc7: {  	s4 =	sand.u32 $0x4000, s31;
	s1 =	sadd.s32 s1, s30  }
0xc8: {  	s0 =	sor.u32 s4, s0;
	s1 =	sshll.u32 s1, $0x11  }
0xc9: {  	s0 =	sor.u32 s1, s0  }
0xca: {  	s0 =	sadd.s32 $0x8F2B, s0  }
0xcb: {  	[sflag:s0] =	ssyncadd.remote.s32 $0x1  }
0xcc: {  	_ =	sfence.sel $0xFFFF  }
0xcd: {  	[dreg:$0x0] =	wrdreg $0xFFFFFFFF;
	(pc) =	sbr.abs _section_cstart, $3  }
0xce: {  	[dreg:$0x1] =	wrdreg $0xFFFFFFFF  }
0xcf: {  	_ =	task.clear_ibuf [dreg:s22], $0x2FFFF;
	_ =	strace $0x9FFFFFFF  }
0xd0: {  	(tm) =	ssettm $0x7FFFFFFF  }
0xd1: {  	_ =	shalt  }
tec
execute0_lowered:
.L_overlay_start_1:
0x0: {  	(tag) =	ssettag $0x1  }
0x1: {  	s4 =	rddreg [dreg:$0x0]  }
0x2: {  	s0 =	rddreg [dreg:$0x1]  }
0x3: {  	s3 =	srdreg.scid;
	s2 =	simm.s32 $0x0;
	s1 =	stileid.u32  }
0x4: {  	s8 =	simm.s32 $0x80;
	s9 =	simm.s32 $0x1;
	s10 =	simm.s32 $0x2E00  }
0x5: {  	s11 =	simm.s32 $0x0;
	s3 =	sand.u32 $0x1, s3;
	[smem:$0x7FF] =	sst s2  }
0x6: {  	s5 =	sshll.u32 s1, $0xA;
	s6 =	sshll.u32 s3, $0x9;
	_ =	strace $0x8000004A  }
0x7: {  	s7 =	ssub.s32 $0x2, s3;
	s3 =	sadd.s32 $0xDF000, s4;
	s5 =	sor.u32 s6, s5  }
0x8: {  	s31 =	sshrl.u32 s7, $0x1;
	s6 =	sadd.s32 s5, s4;
	s5 =	sshrl.u32 s5, $0x3  }
0x9: {  	s7 =	ssub.s32 s7, s31;
	s5 =	sadd.s32 s5, s4;
	s4 =	sadd.s32 $0x5600, s6  }
0xa: {  	s6 =	smax.u32 s7, $0x1;
	s7 =	simm.s32 $0x2;
	s5 =	sadd.s32 $0x1B5200, s5  }
.LBB2_1:
0xb: {  	[tilespmem:s2], [sflag:$0x2] =	stream.linear.gather [hbm4b:s4+s2], $0x1000, $0x38;
	[tilespmem:$0x3000] =	vst v63  }
0xc: {  	s12 =	simm.s32 $0x0  }
0xd: {  	s13 =	smul.u32 $0xFFFFC200, s12  }
0xe: {  	_ =	swait.ge [sflag:s7], $0x1000  }
0xf: {  	[sflag:s7] =	ssyncset.done $0x0;
	s13 =	sshra.s32 s13, $0x2  }
0x10: {  	[sflag:s7] =	ssyncadd.s32 $0xFFFFF000;
	s13 =	sadd.s32 $0x0, s13  }
0x11: {  	v0 =	vld [tilespmem:s13+$0x0];
	_ =	sdelay $0x2  }
0x12: {  	s16 =	smul.u32 $0xF4240, s12;
	_ =	sdelay $0x1  }
0x13: {  	s14 =	simm.s32 $0x1000;
	v0 =	vadd.s32 s16, v0  }
0x14: {  	[tilespmem:s14+$0x0] =	vst v0  }
0x15: {  	v0 =	vld [tilespmem:s13+$0x10];
	_ =	sdelay $0x4  }
0x16: {  	v0 =	vadd.s32 s16, v0  }
0x17: {  	[tilespmem:s14+$0x10] =	vst v0  }
0x18: {  	v0 =	vld [tilespmem:s13+$0x20];
	_ =	sdelay $0x4  }
0x19: {  	v0 =	vadd.s32 s16, v0  }
0x1a: {  	[tilespmem:s14+$0x20] =	vst v0  }
0x1b: {  	v0 =	vld [tilespmem:s13+$0x30];
	_ =	sdelay $0x4  }
0x1c: {  	v0 =	vadd.s32 s16, v0  }
0x1d: {  	[tilespmem:s14+$0x30] =	vst v0  }
0x1e: {  	v0 =	vld [tilespmem:s13+$0x40];
	_ =	sdelay $0x4  }
0x1f: {  	v0 =	vadd.s32 s16, v0  }
0x20: {  	[tilespmem:s14+$0x40] =	vst v0  }
0x21: {  	v0 =	vld [tilespmem:s13+$0x50];
	_ =	sdelay $0x4  }
0x22: {  	v0 =	vadd.s32 s16, v0  }
0x23: {  	[tilespmem:s14+$0x50] =	vst v0  }
0x24: {  	v0 =	vld [tilespmem:s13+$0x60];
	_ =	sdelay $0x4  }
0x25: {  	v0 =	vadd.s32 s16, v0  }
0x26: {  	[tilespmem:s14+$0x60] =	vst v0  }
0x27: {  	v0 =	vld [tilespmem:s13+$0x70];
	_ =	sdelay $0x1  }
0x28: {  	s21 =	simm.s32 $0x0  }
0x29: {  	s20 =	simm.s32 $0x2000;
	s31 =	smul.u32 $0xFFFFC200, s21  }
0x2a: {  	s15 =	simm.s32 $0x1;
	s18 =	simm.s32 $0x400;
	s12 =	simm.s32 $0x2000  }
0x2b: {  	s19 =	sshra.s32 s31, $0x2;
	s13 =	simm.s32 $0x1080;
	v0 =	vadd.s32 s16, v0;
	s16 =	simm.s32 $0x2000  }
.LBB2_2:
0x2c: {  	s19 =	sadd.s32 s18, s19  }
0x2d: {  	[tilespmem:s14+$0x70] =	vst v0;
	s12 =	sadd.s32 $0x80, s12;
	s18 =	smov.u32 s20;
	s17 =	sadd.s32 $0x1000, s20  }
0x2e: {  	[tilespmem:s16], [sflag:$0x1] =	stream.indirect.gather [hbm4b:s3+s8], $0x1, s14, s8, $0xb8;
	[tilespmem:$0x3000] =	vst v63  }
0x2f: {  	p0 =	sne.s32 s20, $0x1B000;
	s16 =	smov.u32 s12;
	s14 =	smov.u32 s13;
	v0 =	vld [tilespmem:s19+$0x0]  }
0x30: {  	_ =	sdelay $0x1  }
0x31: {  	s20 =	smul.u32 $0xF4240, s21;
	_ =	sdelay $0x1  }
0x32: {  	v0 =	vadd.s32 s20, v0  }
0x33: {  	[tilespmem:s13+$0x0] =	vst v0  }
0x34: {  	v0 =	vld [tilespmem:s19+$0x10];
	_ =	sdelay $0x4  }
0x35: {  	v0 =	vadd.s32 s20, v0  }
0x36: {  	[tilespmem:s13+$0x10] =	vst v0  }
0x37: {  	v0 =	vld [tilespmem:s19+$0x20];
	_ =	sdelay $0x4  }
0x38: {  	v0 =	vadd.s32 s20, v0  }
0x39: {  	[tilespmem:s13+$0x20] =	vst v0  }
0x3a: {  	v0 =	vld [tilespmem:s19+$0x30];
	_ =	sdelay $0x4  }
0x3b: {  	v0 =	vadd.s32 s20, v0  }
0x3c: {  	[tilespmem:s13+$0x30] =	vst v0  }
0x3d: {  	v0 =	vld [tilespmem:s19+$0x40];
	_ =	sdelay $0x4  }
0x3e: {  	v0 =	vadd.s32 s20, v0  }
0x3f: {  	[tilespmem:s13+$0x40] =	vst v0  }
0x40: {  	v0 =	vld [tilespmem:s19+$0x50];
	_ =	sdelay $0x4  }
0x41: {  	v0 =	vadd.s32 s20, v0  }
0x42: {  	[tilespmem:s13+$0x50] =	vst v0  }
0x43: {  	v0 =	vld [tilespmem:s19+$0x60];
	_ =	sdelay $0x4  }
0x44: {  	v0 =	vadd.s32 s20, v0  }
0x45: {  	[tilespmem:s13+$0x60] =	vst v0  }
0x46: {  	v0 =	vld [tilespmem:s19+$0x70]  }
.Ltmp0:
0x47: {  	s15 =	sadd.s32 $0x1, s15;
	(pc) =	sbr.rel @p0 .LBB2_2-.Ltmp0, $4  }
0x48: {  	s21 =	sshrl.u32 s15, $0x2  }
0x49: {  	s19 =	smul.u32 $0xFFFFC200, s21  }
0x4a: {  	s18 =	sshra.s32 s18, $0x2  }
0x4b: {  	s13 =	sadd.s32 $0x80, s13;
	s19 =	sshra.s32 s19, $0x2;
	v0 =	vadd.s32 s20, v0;
	s20 =	smov.u32 s17  }
0x4c: {  	s15 =	sadd.s32 s18, s19;
	[tilespmem:s14+$0x70] =	vst v0  }
0x4d: {  	[tilespmem:s16], [sflag:$0x1] =	stream.indirect.gather [hbm4b:s3+s8], $0x1, s14, s8, $0xb8;
	[tilespmem:$0x3000] =	vst v63  }
0x4e: {  	v0 =	vld [tilespmem:s15+$0x0];
	_ =	sdelay $0x2  }
0x4f: {  	s29 =	smul.u32 $0xF4240, s21;
	_ =	sdelay $0x1  }
0x50: {  	v0 =	vadd.s32 s29, v0  }
0x51: {  	[tilespmem:s13+$0x0] =	vst v0  }
0x52: {  	v0 =	vld [tilespmem:s15+$0x10];
	_ =	sdelay $0x4  }
0x53: {  	v0 =	vadd.s32 s29, v0  }
0x54: {  	[tilespmem:s13+$0x10] =	vst v0  }
0x55: {  	v0 =	vld [tilespmem:s15+$0x20];
	_ =	sdelay $0x4  }
0x56: {  	v0 =	vadd.s32 s29, v0  }
0x57: {  	[tilespmem:s13+$0x20] =	vst v0  }
0x58: {  	v0 =	vld [tilespmem:s15+$0x30];
	_ =	sdelay $0x4  }
0x59: {  	v0 =	vadd.s32 s29, v0  }
0x5a: {  	[tilespmem:s13+$0x30] =	vst v0  }
0x5b: {  	v0 =	vld [tilespmem:s15+$0x40];
	_ =	sdelay $0x4  }
0x5c: {  	v0 =	vadd.s32 s29, v0  }
0x5d: {  	[tilespmem:s13+$0x40] =	vst v0  }
0x5e: {  	v0 =	vld [tilespmem:s15+$0x50];
	_ =	sdelay $0x4  }
0x5f: {  	v0 =	vadd.s32 s29, v0  }
0x60: {  	[tilespmem:s13+$0x50] =	vst v0  }
0x61: {  	v0 =	vld [tilespmem:s15+$0x60];
	_ =	sdelay $0x4  }
0x62: {  	v0 =	vadd.s32 s29, v0  }
0x63: {  	[tilespmem:s13+$0x60] =	vst v0  }
0x64: {  	v0 =	vld [tilespmem:s15+$0x70];
	_ =	sdelay $0x4  }
0x65: {  	v0 =	vadd.s32 s29, v0  }
0x66: {  	s12 =	sadd.s32 $0x80, s12;
	[tilespmem:s13+$0x70] =	vst v0  }
0x67: {  	[tilespmem:s12], [sflag:$0x1] =	stream.indirect.gather [hbm4b:s3+s8], $0x1, s13, s8, $0xb8;
	[tilespmem:$0x3000] =	vst v63  }
0x68: {  	_ =	swait.ge [sflag:s9], $0x80  }
0x69: {  	[sflag:s9] =	ssyncset.done $0x0  }
0x6a: {  	[sflag:s9] =	ssyncadd.s32 $0xFFFFFF80  }
0x6b: {  	_ =	swait.ge [sflag:s9], $0x80  }
0x6c: {  	[sflag:s9] =	ssyncset.done $0x0  }
0x6d: {  	[sflag:s9] =	ssyncadd.s32 $0xFFFFFF80  }
0x6e: {  	_ =	swait.ge [sflag:s9], $0x80  }
0x6f: {  	[sflag:s9] =	ssyncset.done $0x0  }
0x70: {  	[sflag:s9] =	ssyncadd.s32 $0xFFFFFF80  }
0x71: {  	_ =	swait.ge [sflag:s9], $0x80  }
0x72: {  	[sflag:s9] =	ssyncset.done $0x0  }
0x73: {  	[sflag:s9] =	ssyncadd.s32 $0xFFFFFF80  }
0x74: {  	_ =	swait.ge [sflag:s9], $0x80  }
0x75: {  	[sflag:s9] =	ssyncset.done $0x0  }
0x76: {  	[sflag:s9] =	ssyncadd.s32 $0xFFFFFF80  }
0x77: {  	_ =	swait.ge [sflag:s9], $0x80  }
0x78: {  	[sflag:s9] =	ssyncset.done $0x0  }
0x79: {  	[sflag:s9] =	ssyncadd.s32 $0xFFFFFF80  }
0x7a: {  	_ =	swait.ge [sflag:s9], $0x80  }
0x7b: {  	[sflag:s9] =	ssyncset.done $0x0  }
0x7c: {  	[sflag:s9] =	ssyncadd.s32 $0xFFFFFF80  }
0x7d: {  	_ =	swait.ge [sflag:s9], $0x80  }
0x7e: {  	[sflag:s9] =	ssyncset.done $0x0  }
0x7f: {  	[sflag:s9] =	ssyncadd.s32 $0xFFFFFF80  }
0x80: {  	_ =	swait.ge [sflag:s9], $0x80  }
0x81: {  	[sflag:s9] =	ssyncset.done $0x0  }
0x82: {  	[sflag:s9] =	ssyncadd.s32 $0xFFFFFF80  }
0x83: {  	_ =	swait.ge [sflag:s9], $0x80  }
0x84: {  	[sflag:s9] =	ssyncset.done $0x0  }
0x85: {  	[sflag:s9] =	ssyncadd.s32 $0xFFFFFF80  }
0x86: {  	_ =	swait.ge [sflag:s9], $0x80  }
0x87: {  	[sflag:s9] =	ssyncset.done $0x0  }
0x88: {  	[sflag:s9] =	ssyncadd.s32 $0xFFFFFF80  }
0x89: {  	_ =	swait.ge [sflag:s9], $0x80  }
0x8a: {  	[sflag:s9] =	ssyncset.done $0x0  }
0x8b: {  	[sflag:s9] =	ssyncadd.s32 $0xFFFFFF80  }
0x8c: {  	_ =	swait.ge [sflag:s9], $0x80  }
0x8d: {  	[sflag:s9] =	ssyncset.done $0x0  }
0x8e: {  	[sflag:s9] =	ssyncadd.s32 $0xFFFFFF80  }
0x8f: {  	_ =	swait.ge [sflag:s9], $0x80  }
0x90: {  	[sflag:s9] =	ssyncset.done $0x0  }
0x91: {  	[sflag:s9] =	ssyncadd.s32 $0xFFFFFF80  }
0x92: {  	_ =	swait.ge [sflag:s9], $0x80  }
0x93: {  	[sflag:s9] =	ssyncset.done $0x0  }
0x94: {  	[sflag:s9] =	ssyncadd.s32 $0xFFFFFF80  }
0x95: {  	_ =	swait.ge [sflag:s9], $0x80  }
0x96: {  	[sflag:s9] =	ssyncset.done $0x0  }
0x97: {  	[sflag:s9] =	ssyncadd.s32 $0xFFFFFF80  }
0x98: {  	_ =	swait.ge [sflag:s9], $0x80  }
0x99: {  	[sflag:s9] =	ssyncset.done $0x0  }
0x9a: {  	[sflag:s9] =	ssyncadd.s32 $0xFFFFFF80  }
0x9b: {  	_ =	swait.ge [sflag:s9], $0x80  }
0x9c: {  	[sflag:s9] =	ssyncset.done $0x0  }
0x9d: {  	[sflag:s9] =	ssyncadd.s32 $0xFFFFFF80  }
0x9e: {  	_ =	swait.ge [sflag:s9], $0x80  }
0x9f: {  	[sflag:s9] =	ssyncset.done $0x0  }
0xa0: {  	[sflag:s9] =	ssyncadd.s32 $0xFFFFFF80  }
0xa1: {  	_ =	swait.ge [sflag:s9], $0x80  }
0xa2: {  	[sflag:s9] =	ssyncset.done $0x0  }
0xa3: {  	[sflag:s9] =	ssyncadd.s32 $0xFFFFFF80  }
0xa4: {  	_ =	swait.ge [sflag:s9], $0x80  }
0xa5: {  	[sflag:s9] =	ssyncset.done $0x0  }
0xa6: {  	[sflag:s9] =	ssyncadd.s32 $0xFFFFFF80  }
0xa7: {  	_ =	swait.ge [sflag:s9], $0x80  }
0xa8: {  	[sflag:s9] =	ssyncset.done $0x0  }
0xa9: {  	[sflag:s9] =	ssyncadd.s32 $0xFFFFFF80  }
0xaa: {  	_ =	swait.ge [sflag:s9], $0x80  }
0xab: {  	[sflag:s9] =	ssyncset.done $0x0  }
0xac: {  	[sflag:s9] =	ssyncadd.s32 $0xFFFFFF80  }
0xad: {  	_ =	swait.ge [sflag:s9], $0x80  }
0xae: {  	[sflag:s9] =	ssyncset.done $0x0  }
0xaf: {  	[sflag:s9] =	ssyncadd.s32 $0xFFFFFF80  }
0xb0: {  	_ =	swait.ge [sflag:s9], $0x80  }
0xb1: {  	[sflag:s9] =	ssyncset.done $0x0  }
0xb2: {  	[sflag:s9] =	ssyncadd.s32 $0xFFFFFF80  }
0xb3: {  	_ =	swait.ge [sflag:s9], $0x80  }
0xb4: {  	[sflag:s9] =	ssyncset.done $0x0  }
0xb5: {  	[sflag:s9] =	ssyncadd.s32 $0xFFFFFF80  }
0xb6: {  	_ =	swait.ge [sflag:s9], $0x80  }
0xb7: {  	[sflag:s9] =	ssyncset.done $0x0  }
0xb8: {  	[sflag:s9] =	ssyncadd.s32 $0xFFFFFF80  }
0xb9: {  	_ =	swait.ge [sflag:s9], $0x80  }
0xba: {  	s30 =	simm.s32 $0x0;
	[sflag:s9] =	ssyncset.done $0x0  }
0xbb: {  	s12 =	sand.u32 $0x1F0, s30;
	[sflag:s9] =	ssyncadd.s32 $0xFFFFFF80  }
0xbc: {  	v60 =	vld [tilespmem:s12+$0x2000];
	_ =	sdelay $0x1  }
0xbd: {  	v1 =	vld [tilespmem:s12+$0x2200];
	_ =	sdelay $0x1  }
0xbe: {  	v2 =	vld [tilespmem:s12+$0x2400]  }
0xbf: {  	v0 =	vadd.f32 $0.0e+00, v60  }
0xc0: {  	v3 =	vld [tilespmem:s12+$0x2600]  }
0xc1: {  	v0 =	vadd.f32 v1, v0  }
0xc2: {  	v61 =	vld [tilespmem:s12+$0x2800]  }
0xc3: {  	v0 =	vadd.f32 v2, v0  }
0xc4: {  	v62 =	vld [tilespmem:s12+$0x2A00]  }
0xc5: {  	v0 =	vadd.f32 v3, v0  }
0xc6: {  	v63 =	vld [tilespmem:s12+$0x2C00]  }
0xc7: {  	v0 =	vadd.f32 v61, v0;
	_ =	sdelay $0x1  }
0xc8: {  	v0 =	vadd.f32 v62, v0;
	_ =	sdelay $0x1  }
0xc9: {  	v0 =	vadd.f32 v63, v0  }
0xca: {  	s31 =	simm.s32 $0x10;
	s12 =	simm.s32 $0x2E00  }
0xcb: {  	s14 =	simm.s32 $0x20;
	s13 =	sand.u32 $0x1F0, s31;
	[tilespmem:s12+$0x0] =	vst v0  }
.LBB2_4:
0xcc: {  	p0 =	sne.s32 s14, $0x1F0;
	v0 =	vld [tilespmem:s13+$0x2000];
	_ =	sdelay $0x1  }
0xcd: {  	v1 =	vld [tilespmem:s13+$0x2200];
	_ =	sdelay $0x1  }
0xce: {  	v2 =	vld [tilespmem:s13+$0x2400]  }
0xcf: {  	v0 =	vadd.f32 $0.0e+00, v0  }
0xd0: {  	v3 =	vld [tilespmem:s13+$0x2600]  }
0xd1: {  	v0 =	vadd.f32 v1, v0  }
0xd2: {  	v1 =	vld [tilespmem:s13+$0x2800]  }
0xd3: {  	v0 =	vadd.f32 v2, v0  }
0xd4: {  	v2 =	vld [tilespmem:s13+$0x2A00]  }
0xd5: {  	v0 =	vadd.f32 v3, v0  }
0xd6: {  	v3 =	vld [tilespmem:s13+$0x2C00]  }
0xd7: {  	v0 =	vadd.f32 v1, v0;
	_ =	sdelay $0x1  }
.Ltmp1:
0xd8: {  	v0 =	vadd.f32 v2, v0;
	(pc) =	sbr.rel @p0 .LBB2_4-.Ltmp1, $4  }
0xd9: {  	_ = 	snop  }
0xda: {  	v0 =	vadd.f32 v3, v0  }
0xdb: {  	s12 =	sadd.s32 $0x10, s12  }
0xdc: {  	s13 =	sand.u32 $0x1F0, s14;
	s14 =	sadd.s32 $0x10, s14;
	[tilespmem:s12+$0x0] =	vst v0  }
0xdd: {  	v0 =	vld [tilespmem:s13+$0x2000];
	_ =	sdelay $0x1  }
0xde: {  	v1 =	vld [tilespmem:s13+$0x2200];
	_ =	sdelay $0x1  }
0xdf: {  	v2 =	vld [tilespmem:s13+$0x2400]  }
0xe0: {  	v0 =	vadd.f32 $0.0e+00, v0  }
0xe1: {  	v3 =	vld [tilespmem:s13+$0x2600]  }
0xe2: {  	v0 =	vadd.f32 v1, v0  }
0xe3: {  	v61 =	vld [tilespmem:s13+$0x2800]  }
0xe4: {  	v0 =	vadd.f32 v2, v0  }
0xe5: {  	v62 =	vld [tilespmem:s13+$0x2A00]  }
0xe6: {  	v0 =	vadd.f32 v3, v0  }
0xe7: {  	v63 =	vld [tilespmem:s13+$0x2C00]  }
0xe8: {  	v0 =	vadd.f32 v61, v0;
	_ =	sdelay $0x1  }
0xe9: {  	v0 =	vadd.f32 v62, v0;
	_ =	sdelay $0x1  }
0xea: {  	s11 =	sadd.s32 $0x1, s11;
	v0 =	vadd.f32 v63, v0  }
0xeb: {  	s12 =	sadd.s32 $0x10, s12;
	p0 =	sne.s32 s11, s6  }
.Ltmp2:
0xec: {  	[tilespmem:s12+$0x0] =	vst v0;
	(pc) =	sbr.rel @p0 .LBB2_1-.Ltmp2, $4  }
0xed: {  	[hbm4b:s5+s2] =	stream.linear.scatter [tilespmem:s10], [sflag:$0x2], $0x200, $0x38;
	[tilespmem:$0x3000] =	vst v63  }
0xee: {  	_ =	swait.ge [sflag:s7], $0x200  }
0xef: {  	[sflag:s7] =	ssyncset.done $0x0  }
0xf0: {  	[sflag:s7] =	ssyncadd.s32 $0xFFFFFE00  }
0xf1: {  	_ =	sfence.sel $0x180000  }
0xf2: {  	[bflag:$0x0] =	sbarrier.arrive $0xFFFF  }
0xf3: {  	p0 =	sne.s32 s1, $0x0;
	_ =	strace $0x9000004A  }
0xf4: {  	s0 =	sadd.s32 @!p0 $0x100000, s0;
	[bflag:$0x2] =	sbarrier.arrive $0xFFFF  }
0xf5: {  	[sflag:s0] =	ssyncadd.tile.s32 @!p0 $0x1;
	_ =	shalt  }
.Lfunc_end2:
_tile_overlayer_lowered:
.L_overlay_start_2:
0xf6: {  	(tag) =	ssettag $0x2  }
0xf7: {  	s0 =	rddreg [dreg:$0x0];
	s2 =	stileid.u32  }
0xf8: {  	s1 =	rddreg [dreg:$0x1];
	p0 =	sne.s32 s2, $0x0  }
0xf9: {  	s3 =	rddreg [dreg:$0x2];
	[bflag:$0x3] =	sbarrier.arrive $0xFFFF;
	s2 =	simm.s32 @!p0 $0x1C02  }
0xfa: {  	[timem:s3], [sflag:s2] =	dma.local @!p0 [hbm:s0], s1  }
0xfb: {  	s0 =	simm.s32 @!p0 $0x2  }
0xfc: {  	_ =	swait.ge @!p0 [sflag:s0], s1  }
0xfd: {  	s1 =	ssub.s32 @!p0 $0x0, s1;
	[sflag:s0] =	ssyncset.done @!p0 $0x0  }
0xfe: {  	[sflag:s0] =	ssyncadd.s32 @!p0 s1  }
0xff: {  	[bflag:$0x3] =	sbarrier.arrive $0xFFFF  }
0x100: {  	_ =	shalt  }

</sc_bundles>
